<compile_context>
chip_gen: v7x
topology: tpu7x:2x2x1
jax: 0.10.2.dev20260603
libtpu: 0.0.44.dev20260713+nightly
codegen_flags: <defaults>
</compile_context>

<pallas_src>
import functools

import jax
import jax.numpy as jnp
from jax import lax
from jax.experimental import pallas as pl
from jax.experimental.pallas import tpu as pltpu
from jax.experimental.pallas import tpu_sc as plsc

_NC = 2
_NS = 16
_NW = _NC * _NS
_BC = 16


def _make_sc(n, s, d):
    b_per_w = n // _NW
    n_chunks = b_per_w // _BC
    rows_c = _BC * s
    mesh = plsc.VectorSubcoreMesh(core_axis_name="c", subcore_axis_name="s")

    @functools.partial(
        pl.kernel,
        mesh=mesh,
        out_type=jax.ShapeDtypeStruct((n, s, 2), jnp.float32),
        scratch_types=[
            pltpu.VMEM((rows_c, 8), jnp.float32),
            pltpu.VMEM((rows_c, 8), jnp.float32),
            pltpu.VMEM((_BC, s, 2), jnp.float32),
            pltpu.VMEM((_BC, s, 2), jnp.float32),
            pltpu.SemaphoreType.DMA,
            pltpu.SemaphoreType.DMA,
            pltpu.SemaphoreType.DMA,
            pltpu.SemaphoreType.DMA,
        ],
        compiler_params=pltpu.CompilerParams(
            use_tc_tiling_on_sc=False, needs_layout_passes=False
        ),
    )
    def _sc(x_hbm, out_hbm, vb0, vb1, cb0, cb1, si0, si1, so0, so1):
        wid = lax.axis_index("s") * _NC + lax.axis_index("c")
        b_base = wid * b_per_w
        lane = lax.iota(jnp.int32, 16)
        vbs, cbs, sis, sos = (vb0, vb1), (cb0, cb1), (si0, si1), (so0, so1)

        def in_copy(c):
            b0 = b_base + c * _BC
            return pltpu.make_async_copy(
                x_hbm.at[pl.ds(b0 * s, rows_c), 0:8], vbs[c % 2], sis[c % 2]
            )

        def out_copy(c):
            b0 = b_base + c * _BC
            return pltpu.make_async_copy(
                cbs[c % 2], out_hbm.at[pl.ds(b0, _BC), :, :], sos[c % 2]
            )

        in_copy(0).start()
        for c in range(n_chunks):
            if c + 1 < n_chunks:
                in_copy(c + 1).start()
            in_copy(c).wait()
            if c >= 2:
                out_copy(c - 2).wait()
            vb, cb = vbs[c % 2], cbs[c % 2]

            def pack_outer(bh, _):
                bh_vec = jnp.full((16,), bh, jnp.int32)

                def pack_inner(m, _):
                    k = m * 16 + lane
                    row = bh * s + (k >> 1)
                    col = k & 1
                    vals = plsc.load_gather(vb, [row, col])
                    plsc.store_scatter(cb, [bh_vec, k >> 1, col], vals)
                    return _

                lax.fori_loop(0, 2 * s // 16, pack_inner, None)
                return _

            lax.fori_loop(0, _BC, pack_outer, None)
            out_copy(c).start()
        out_copy(n_chunks - 2).wait()
        out_copy(n_chunks - 1).wait()

    return _sc


def kernel(x):
    n, s, d = x.shape
    return _make_sc(n, s, d)(x.reshape(n * s, d))

# --- scband reference (transcript-rebuilt; emitter-appended) ---
"""Pipeline reference for scband-my-module-11879879543745 (READ-ONLY COPY).

The authoritative reference and input builder live on the scoring server;
editing this copy changes nothing except your own understanding.
"""

import jax, jax.numpy as jnp
import numpy as np


def setup_inputs(seed: int = 0) -> dict:
    key = jax.random.key(seed)
    x = jax.random.normal(key, (4096, 200, 128), dtype=jnp.float32)
    return {"x": x}


def reference(x):
    idx = jnp.array([0, 1], dtype=jnp.int32)
    # x[:, :].index_select(2, [0,1])
    x = jnp.take(x, idx, axis=2)
    # x[:, :, idx]
    x = x[:, :, idx]
    return x

if __name__ == "__main__":
    import jax
    _d = setup_inputs()
    print(jax.jit(kernel)(*tuple(_d.values())))

</pallas_src>

<mosaic_0001>
#map = affine_map<(d0, d1) -> (0, 0)>
#map1 = affine_map<(d0, d1) -> (0, 0, 0)>
module attributes {stable_mosaic.version = 14 : i64} {
  func.func @_sc(%arg0: i32, %arg1: i32, %arg2: memref<819200x128xf32, #tpu.memory_space<hbm>>, %arg3: memref<4096x200x2xf32, #tpu.memory_space<hbm>>, %arg4: memref<3200x8xf32, #tpu.memory_space<vmem>>, %arg5: memref<3200x8xf32, #tpu.memory_space<vmem>>, %arg6: memref<16x200x2xf32, #tpu.memory_space<vmem>>, %arg7: memref<16x200x2xf32, #tpu.memory_space<vmem>>, %arg8: memref<!tpu.dma_semaphore, #tpu.memory_space<semaphore_mem>>, %arg9: memref<!tpu.dma_semaphore, #tpu.memory_space<semaphore_mem>>, %arg10: memref<!tpu.dma_semaphore, #tpu.memory_space<semaphore_mem>>, %arg11: memref<!tpu.dma_semaphore, #tpu.memory_space<semaphore_mem>>) attributes {dimension_semantics = [#tpu.dimension_semantics<core_parallel>, #tpu.dimension_semantics<subcore_parallel>], iteration_bounds = array<i64: 2, 16>, scalar_prefetch = 0 : i64, scratch_operands = 8 : i64, tpu.core_type = #tpu.core_type<sc_vector_subcore>, window_params = [{transform_indices = #map}, {transform_indices = #map1}]} {
    %mul3A = arith.constant 2 : i32
    %mul3A_0 = arith.muli %arg1, %mul3A : i32
    %add3A = arith.addi %mul3A_0, %arg0 : i32
    %mul3A_1 = arith.constant 128 : i32
    %mul3A_2 = arith.muli %add3A, %mul3A_1 : i32
    %iota3A = tpu.iota {dimensions = array<i32: 0>} : vector<16xi32>
    %add3A_3 = arith.constant 0 : i32
    %add3A_4 = arith.addi %mul3A_2, %add3A_3 : i32
    %mul3A_5 = arith.constant 200 : i32
    %mul3A_6 = arith.muli %add3A_4, %mul3A_5 : i32
    %dma_start3A = arith.constant 0 : i32
    %dma_start3A_7 = tpu.memref_slice %arg2[%mul3A_6, %dma_start3A] : memref<819200x128xf32, #tpu.memory_space<hbm>> -> memref<3200x8xf32, #tpu.memory_space<hbm>>
    %dma_start3A_8 = arith.constant 0 : i32
    %dma_start3A_9 = tpu.memref_slice %arg2[%mul3A_6, %dma_start3A_8] : memref<819200x128xf32, #tpu.memory_space<hbm>> -> memref<3200x8xf32, #tpu.memory_space<hbm>>
    tpu.enqueue_dma source(%dma_start3A_9 : memref<3200x8xf32, #tpu.memory_space<hbm>>) target(%arg4 : memref<3200x8xf32, #tpu.memory_space<vmem>>) target_semaphore(%arg8 : memref<!tpu.dma_semaphore, #tpu.memory_space<semaphore_mem>>)
    %add3A_10 = arith.constant 16 : i32
    %add3A_11 = arith.addi %mul3A_2, %add3A_10 : i32
    %mul3A_12 = arith.constant 200 : i32
    %mul3A_13 = arith.muli %add3A_11, %mul3A_12 : i32
    %dma_start3A_14 = arith.constant 0 : i32
    %dma_start3A_15 = tpu.memref_slice %arg2[%mul3A_13, %dma_start3A_14] : memref<819200x128xf32, #tpu.memory_space<hbm>> -> memref<3200x8xf32, #tpu.memory_space<hbm>>
    %dma_start3A_16 = arith.constant 0 : i32
    %dma_start3A_17 = tpu.memref_slice %arg2[%mul3A_13, %dma_start3A_16] : memref<819200x128xf32, #tpu.memory_space<hbm>> -> memref<3200x8xf32, #tpu.memory_space<hbm>>
    tpu.enqueue_dma source(%dma_start3A_17 : memref<3200x8xf32, #tpu.memory_space<hbm>>) target(%arg5 : memref<3200x8xf32, #tpu.memory_space<vmem>>) target_semaphore(%arg9 : memref<!tpu.dma_semaphore, #tpu.memory_space<semaphore_mem>>)
    %add3A_18 = arith.constant 0 : i32
    %add3A_19 = arith.addi %mul3A_2, %add3A_18 : i32
    %mul3A_20 = arith.constant 200 : i32
    %mul3A_21 = arith.muli %add3A_19, %mul3A_20 : i32
    %dma_wait3A = arith.constant 0 : i32
    %dma_wait3A_22 = tpu.memref_slice %arg2[%mul3A_21, %dma_wait3A] : memref<819200x128xf32, #tpu.memory_space<hbm>> -> memref<3200x8xf32, #tpu.memory_space<hbm>>
    %dma_wait3A_23 = arith.constant 0 : i32
    %dma_wait3A_24 = tpu.memref_slice %arg2[%mul3A_21, %dma_wait3A_23] : memref<819200x128xf32, #tpu.memory_space<hbm>> -> memref<3200x8xf32, #tpu.memory_space<hbm>>
    tpu.wait_dma2 semaphore(%arg8 : memref<!tpu.dma_semaphore, #tpu.memory_space<semaphore_mem>>) src(%dma_wait3A_24 : memref<3200x8xf32, #tpu.memory_space<hbm>>) dst(%arg4 : memref<3200x8xf32, #tpu.memory_space<vmem>>)
    %scan3A = arith.constant 0 : i32
    %scan3A_25 = arith.constant 16 : i32
    %scan3A_26 = arith.addi %scan3A, %scan3A_25 : i32
    %scan3A_27 = arith.constant 1 : i32
    scf.for %scan3A_296 = %scan3A to %scan3A_26 step %scan3A_27  : i32 {
      %broadcast_in_dim3A = vector.broadcast %scan3A_296 : i32 to vector<16xi32>
      %scan3A_297 = arith.constant 0 : i32
      %scan3A_298 = arith.constant 25 : i32
      %scan3A_299 = arith.addi %scan3A_297, %scan3A_298 : i32
      %scan3A_300 = arith.constant 1 : i32
      scf.for %scan3A_302 = %scan3A_297 to %scan3A_299 step %scan3A_300  : i32 {
        %mul3A_303 = arith.constant 16 : i32
        %mul3A_304 = arith.muli %scan3A_302, %mul3A_303 : i32
        %add3A_305 = vector.broadcast %mul3A_304 : i32 to vector<16xi32>
        %add3A_306 = arith.addi %add3A_305, %iota3A : vector<16xi32>
        %mul3A_307 = arith.constant 200 : i32
        %mul3A_308 = arith.muli %scan3A_296, %mul3A_307 : i32
        %shift_right_arithmetic3A = arith.constant 1 : i32
        %shift_right_arithmetic3A_309 = vector.broadcast %shift_right_arithmetic3A : i32 to vector<16xi32>
        %shift_right_arithmetic3A_310 = arith.shrsi %add3A_306, %shift_right_arithmetic3A_309 : vector<16xi32>
        %add3A_311 = vector.broadcast %mul3A_308 : i32 to vector<16xi32>
        %add3A_312 = arith.addi %add3A_311, %shift_right_arithmetic3A_310 : vector<16xi32>
        %and3A = arith.constant 1 : i32
        %and3A_313 = vector.broadcast %and3A : i32 to vector<16xi32>
        %and3A_314 = arith.andi %add3A_306, %and3A_313 : vector<16xi32>
        %gather3A = tpu.vector_load_idx %arg4[%add3A_312, %and3A_314] : memref<3200x8xf32, #tpu.memory_space<vmem>>[vector<16xi32>, vector<16xi32>], vector<16xf32>,
        %shift_right_arithmetic3A_315 = arith.constant 1 : i32
        %shift_right_arithmetic3A_316 = vector.broadcast %shift_right_arithmetic3A_315 : i32 to vector<16xi32>
        %shift_right_arithmetic3A_317 = arith.shrsi %add3A_306, %shift_right_arithmetic3A_316 : vector<16xi32>
        tpu.vector_store_idx %arg6[%broadcast_in_dim3A, %shift_right_arithmetic3A_317, %and3A_314], %gather3A : memref<16x200x2xf32, #tpu.memory_space<vmem>>[vector<16xi32>, vector<16xi32>, vector<16xi32>], vector<16xf32>,
      }
      %scan3A_301 = arith.constant 25 : i32
    }
    %scan3A_28 = arith.constant 16 : i32
    %add3A_29 = arith.constant 0 : i32
    %add3A_30 = arith.addi %mul3A_2, %add3A_29 : i32
    %dma_start3A_31 = arith.constant 0 : i32
    %dma_start3A_32 = arith.constant 0 : i32
    %dma_start3A_33 = tpu.memref_slice %arg3[%add3A_30, %dma_start3A_31, %dma_start3A_32] : memref<4096x200x2xf32, #tpu.memory_space<hbm>> -> memref<16x200x2xf32, #tpu.memory_space<hbm>>
    %dma_start3A_34 = arith.constant 0 : i32
    %dma_start3A_35 = arith.constant 0 : i32
    %dma_start3A_36 = tpu.memref_slice %arg3[%add3A_30, %dma_start3A_34, %dma_start3A_35] : memref<4096x200x2xf32, #tpu.memory_space<hbm>> -> memref<16x200x2xf32, #tpu.memory_space<hbm>>
    tpu.enqueue_dma source(%arg6 : memref<16x200x2xf32, #tpu.memory_space<vmem>>) target(%dma_start3A_36 : memref<16x200x2xf32, #tpu.memory_space<hbm>>) target_semaphore(%arg10 : memref<!tpu.dma_semaphore, #tpu.memory_space<semaphore_mem>>)
    %add3A_37 = arith.constant 32 : i32
    %add3A_38 = arith.addi %mul3A_2, %add3A_37 : i32
    %mul3A_39 = arith.constant 200 : i32
    %mul3A_40 = arith.muli %add3A_38, %mul3A_39 : i32
    %dma_start3A_41 = arith.constant 0 : i32
    %dma_start3A_42 = tpu.memref_slice %arg2[%mul3A_40, %dma_start3A_41] : memref<819200x128xf32, #tpu.memory_space<hbm>> -> memref<3200x8xf32, #tpu.memory_space<hbm>>
    %dma_start3A_43 = arith.constant 0 : i32
    %dma_start3A_44 = tpu.memref_slice %arg2[%mul3A_40, %dma_start3A_43] : memref<819200x128xf32, #tpu.memory_space<hbm>> -> memref<3200x8xf32, #tpu.memory_space<hbm>>
    tpu.enqueue_dma source(%dma_start3A_44 : memref<3200x8xf32, #tpu.memory_space<hbm>>) target(%arg4 : memref<3200x8xf32, #tpu.memory_space<vmem>>) target_semaphore(%arg8 : memref<!tpu.dma_semaphore, #tpu.memory_space<semaphore_mem>>)
    %add3A_45 = arith.constant 16 : i32
    %add3A_46 = arith.addi %mul3A_2, %add3A_45 : i32
    %mul3A_47 = arith.constant 200 : i32
    %mul3A_48 = arith.muli %add3A_46, %mul3A_47 : i32
    %dma_wait3A_49 = arith.constant 0 : i32
    %dma_wait3A_50 = tpu.memref_slice %arg2[%mul3A_48, %dma_wait3A_49] : memref<819200x128xf32, #tpu.memory_space<hbm>> -> memref<3200x8xf32, #tpu.memory_space<hbm>>
    %dma_wait3A_51 = arith.constant 0 : i32
    %dma_wait3A_52 = tpu.memref_slice %arg2[%mul3A_48, %dma_wait3A_51] : memref<819200x128xf32, #tpu.memory_space<hbm>> -> memref<3200x8xf32, #tpu.memory_space<hbm>>
    tpu.wait_dma2 semaphore(%arg9 : memref<!tpu.dma_semaphore, #tpu.memory_space<semaphore_mem>>) src(%dma_wait3A_52 : memref<3200x8xf32, #tpu.memory_space<hbm>>) dst(%arg5 : memref<3200x8xf32, #tpu.memory_space<vmem>>)
    %scan3A_53 = arith.constant 0 : i32
    %scan3A_54 = arith.constant 16 : i32
    %scan3A_55 = arith.addi %scan3A_53, %scan3A_54 : i32
    %scan3A_56 = arith.constant 1 : i32
    scf.for %scan3A_296 = %scan3A_53 to %scan3A_55 step %scan3A_56  : i32 {
      %broadcast_in_dim3A = vector.broadcast %scan3A_296 : i32 to vector<16xi32>
      %scan3A_297 = arith.constant 0 : i32
      %scan3A_298 = arith.constant 25 : i32
      %scan3A_299 = arith.addi %scan3A_297, %scan3A_298 : i32
      %scan3A_300 = arith.constant 1 : i32
      scf.for %scan3A_302 = %scan3A_297 to %scan3A_299 step %scan3A_300  : i32 {
        %mul3A_303 = arith.constant 16 : i32
        %mul3A_304 = arith.muli %scan3A_302, %mul3A_303 : i32
        %add3A_305 = vector.broadcast %mul3A_304 : i32 to vector<16xi32>
        %add3A_306 = arith.addi %add3A_305, %iota3A : vector<16xi32>
        %mul3A_307 = arith.constant 200 : i32
        %mul3A_308 = arith.muli %scan3A_296, %mul3A_307 : i32
        %shift_right_arithmetic3A = arith.constant 1 : i32
        %shift_right_arithmetic3A_309 = vector.broadcast %shift_right_arithmetic3A : i32 to vector<16xi32>
        %shift_right_arithmetic3A_310 = arith.shrsi %add3A_306, %shift_right_arithmetic3A_309 : vector<16xi32>
        %add3A_311 = vector.broadcast %mul3A_308 : i32 to vector<16xi32>
        %add3A_312 = arith.addi %add3A_311, %shift_right_arithmetic3A_310 : vector<16xi32>
        %and3A = arith.constant 1 : i32
        %and3A_313 = vector.broadcast %and3A : i32 to vector<16xi32>
        %and3A_314 = arith.andi %add3A_306, %and3A_313 : vector<16xi32>
        %gather3A = tpu.vector_load_idx %arg5[%add3A_312, %and3A_314] : memref<3200x8xf32, #tpu.memory_space<vmem>>[vector<16xi32>, vector<16xi32>], vector<16xf32>,
        %shift_right_arithmetic3A_315 = arith.constant 1 : i32
        %shift_right_arithmetic3A_316 = vector.broadcast %shift_right_arithmetic3A_315 : i32 to vector<16xi32>
        %shift_right_arithmetic3A_317 = arith.shrsi %add3A_306, %shift_right_arithmetic3A_316 : vector<16xi32>
        tpu.vector_store_idx %arg7[%broadcast_in_dim3A, %shift_right_arithmetic3A_317, %and3A_314], %gather3A : memref<16x200x2xf32, #tpu.memory_space<vmem>>[vector<16xi32>, vector<16xi32>, vector<16xi32>], vector<16xf32>,
      }
      %scan3A_301 = arith.constant 25 : i32
    }
    %scan3A_57 = arith.constant 16 : i32
    %add3A_58 = arith.constant 16 : i32
    %add3A_59 = arith.addi %mul3A_2, %add3A_58 : i32
    %dma_start3A_60 = arith.constant 0 : i32
    %dma_start3A_61 = arith.constant 0 : i32
    %dma_start3A_62 = tpu.memref_slice %arg3[%add3A_59, %dma_start3A_60, %dma_start3A_61] : memref<4096x200x2xf32, #tpu.memory_space<hbm>> -> memref<16x200x2xf32, #tpu.memory_space<hbm>>
    %dma_start3A_63 = arith.constant 0 : i32
    %dma_start3A_64 = arith.constant 0 : i32
    %dma_start3A_65 = tpu.memref_slice %arg3[%add3A_59, %dma_start3A_63, %dma_start3A_64] : memref<4096x200x2xf32, #tpu.memory_space<hbm>> -> memref<16x200x2xf32, #tpu.memory_space<hbm>>
    tpu.enqueue_dma source(%arg7 : memref<16x200x2xf32, #tpu.memory_space<vmem>>) target(%dma_start3A_65 : memref<16x200x2xf32, #tpu.memory_space<hbm>>) target_semaphore(%arg11 : memref<!tpu.dma_semaphore, #tpu.memory_space<semaphore_mem>>)
    %add3A_66 = arith.constant 48 : i32
    %add3A_67 = arith.addi %mul3A_2, %add3A_66 : i32
    %mul3A_68 = arith.constant 200 : i32
    %mul3A_69 = arith.muli %add3A_67, %mul3A_68 : i32
    %dma_start3A_70 = arith.constant 0 : i32
    %dma_start3A_71 = tpu.memref_slice %arg2[%mul3A_69, %dma_start3A_70] : memref<819200x128xf32, #tpu.memory_space<hbm>> -> memref<3200x8xf32, #tpu.memory_space<hbm>>
    %dma_start3A_72 = arith.constant 0 : i32
    %dma_start3A_73 = tpu.memref_slice %arg2[%mul3A_69, %dma_start3A_72] : memref<819200x128xf32, #tpu.memory_space<hbm>> -> memref<3200x8xf32, #tpu.memory_space<hbm>>
    tpu.enqueue_dma source(%dma_start3A_73 : memref<3200x8xf32, #tpu.memory_space<hbm>>) target(%arg5 : memref<3200x8xf32, #tpu.memory_space<vmem>>) target_semaphore(%arg9 : memref<!tpu.dma_semaphore, #tpu.memory_space<semaphore_mem>>)
    %add3A_74 = arith.constant 32 : i32
    %add3A_75 = arith.addi %mul3A_2, %add3A_74 : i32
    %mul3A_76 = arith.constant 200 : i32
    %mul3A_77 = arith.muli %add3A_75, %mul3A_76 : i32
    %dma_wait3A_78 = arith.constant 0 : i32
    %dma_wait3A_79 = tpu.memref_slice %arg2[%mul3A_77, %dma_wait3A_78] : memref<819200x128xf32, #tpu.memory_space<hbm>> -> memref<3200x8xf32, #tpu.memory_space<hbm>>
    %dma_wait3A_80 = arith.constant 0 : i32
    %dma_wait3A_81 = tpu.memref_slice %arg2[%mul3A_77, %dma_wait3A_80] : memref<819200x128xf32, #tpu.memory_space<hbm>> -> memref<3200x8xf32, #tpu.memory_space<hbm>>
    tpu.wait_dma2 semaphore(%arg8 : memref<!tpu.dma_semaphore, #tpu.memory_space<semaphore_mem>>) src(%dma_wait3A_81 : memref<3200x8xf32, #tpu.memory_space<hbm>>) dst(%arg4 : memref<3200x8xf32, #tpu.memory_space<vmem>>)
    %add3A_82 = arith.constant 0 : i32
    %add3A_83 = arith.addi %mul3A_2, %add3A_82 : i32
    %dma_wait3A_84 = arith.constant 0 : i32
    %dma_wait3A_85 = arith.constant 0 : i32
    %dma_wait3A_86 = tpu.memref_slice %arg3[%add3A_83, %dma_wait3A_84, %dma_wait3A_85] : memref<4096x200x2xf32, #tpu.memory_space<hbm>> -> memref<16x200x2xf32, #tpu.memory_space<hbm>>
    %dma_wait3A_87 = arith.constant 0 : i32
    %dma_wait3A_88 = arith.constant 0 : i32
    %dma_wait3A_89 = tpu.memref_slice %arg3[%add3A_83, %dma_wait3A_87, %dma_wait3A_88] : memref<4096x200x2xf32, #tpu.memory_space<hbm>> -> memref<16x200x2xf32, #tpu.memory_space<hbm>>
    tpu.wait_dma2 semaphore(%arg10 : memref<!tpu.dma_semaphore, #tpu.memory_space<semaphore_mem>>) src(%arg6 : memref<16x200x2xf32, #tpu.memory_space<vmem>>) dst(%dma_wait3A_89 : memref<16x200x2xf32, #tpu.memory_space<hbm>>)
    %scan3A_90 = arith.constant 0 : i32
    %scan3A_91 = arith.constant 16 : i32
    %scan3A_92 = arith.addi %scan3A_90, %scan3A_91 : i32
    %scan3A_93 = arith.constant 1 : i32
    scf.for %scan3A_296 = %scan3A_90 to %scan3A_92 step %scan3A_93  : i32 {
      %broadcast_in_dim3A = vector.broadcast %scan3A_296 : i32 to vector<16xi32>
      %scan3A_297 = arith.constant 0 : i32
      %scan3A_298 = arith.constant 25 : i32
      %scan3A_299 = arith.addi %scan3A_297, %scan3A_298 : i32
      %scan3A_300 = arith.constant 1 : i32
      scf.for %scan3A_302 = %scan3A_297 to %scan3A_299 step %scan3A_300  : i32 {
        %mul3A_303 = arith.constant 16 : i32
        %mul3A_304 = arith.muli %scan3A_302, %mul3A_303 : i32
        %add3A_305 = vector.broadcast %mul3A_304 : i32 to vector<16xi32>
        %add3A_306 = arith.addi %add3A_305, %iota3A : vector<16xi32>
        %mul3A_307 = arith.constant 200 : i32
        %mul3A_308 = arith.muli %scan3A_296, %mul3A_307 : i32
        %shift_right_arithmetic3A = arith.constant 1 : i32
        %shift_right_arithmetic3A_309 = vector.broadcast %shift_right_arithmetic3A : i32 to vector<16xi32>
        %shift_right_arithmetic3A_310 = arith.shrsi %add3A_306, %shift_right_arithmetic3A_309 : vector<16xi32>
        %add3A_311 = vector.broadcast %mul3A_308 : i32 to vector<16xi32>
        %add3A_312 = arith.addi %add3A_311, %shift_right_arithmetic3A_310 : vector<16xi32>
        %and3A = arith.constant 1 : i32
        %and3A_313 = vector.broadcast %and3A : i32 to vector<16xi32>
        %and3A_314 = arith.andi %add3A_306, %and3A_313 : vector<16xi32>
        %gather3A = tpu.vector_load_idx %arg4[%add3A_312, %and3A_314] : memref<3200x8xf32, #tpu.memory_space<vmem>>[vector<16xi32>, vector<16xi32>], vector<16xf32>,
        %shift_right_arithmetic3A_315 = arith.constant 1 : i32
        %shift_right_arithmetic3A_316 = vector.broadcast %shift_right_arithmetic3A_315 : i32 to vector<16xi32>
        %shift_right_arithmetic3A_317 = arith.shrsi %add3A_306, %shift_right_arithmetic3A_316 : vector<16xi32>
        tpu.vector_store_idx %arg6[%broadcast_in_dim3A, %shift_right_arithmetic3A_317, %and3A_314], %gather3A : memref<16x200x2xf32, #tpu.memory_space<vmem>>[vector<16xi32>, vector<16xi32>, vector<16xi32>], vector<16xf32>,
      }
      %scan3A_301 = arith.constant 25 : i32
    }
    %scan3A_94 = arith.constant 16 : i32
    %add3A_95 = arith.constant 32 : i32
    %add3A_96 = arith.addi %mul3A_2, %add3A_95 : i32
    %dma_start3A_97 = arith.constant 0 : i32
    %dma_start3A_98 = arith.constant 0 : i32
    %dma_start3A_99 = tpu.memref_slice %arg3[%add3A_96, %dma_start3A_97, %dma_start3A_98] : memref<4096x200x2xf32, #tpu.memory_space<hbm>> -> memref<16x200x2xf32, #tpu.memory_space<hbm>>
    %dma_start3A_100 = arith.constant 0 : i32
    %dma_start3A_101 = arith.constant 0 : i32
    %dma_start3A_102 = tpu.memref_slice %arg3[%add3A_96, %dma_start3A_100, %dma_start3A_101] : memref<4096x200x2xf32, #tpu.memory_space<hbm>> -> memref<16x200x2xf32, #tpu.memory_space<hbm>>
    tpu.enqueue_dma source(%arg6 : memref<16x200x2xf32, #tpu.memory_space<vmem>>) target(%dma_start3A_102 : memref<16x200x2xf32, #tpu.memory_space<hbm>>) target_semaphore(%arg10 : memref<!tpu.dma_semaphore, #tpu.memory_space<semaphore_mem>>)
    %add3A_103 = arith.constant 64 : i32
    %add3A_104 = arith.addi %mul3A_2, %add3A_103 : i32
    %mul3A_105 = arith.constant 200 : i32
    %mul3A_106 = arith.muli %add3A_104, %mul3A_105 : i32
    %dma_start3A_107 = arith.constant 0 : i32
    %dma_start3A_108 = tpu.memref_slice %arg2[%mul3A_106, %dma_start3A_107] : memref<819200x128xf32, #tpu.memory_space<hbm>> -> memref<3200x8xf32, #tpu.memory_space<hbm>>
    %dma_start3A_109 = arith.constant 0 : i32
    %dma_start3A_110 = tpu.memref_slice %arg2[%mul3A_106, %dma_start3A_109] : memref<819200x128xf32, #tpu.memory_space<hbm>> -> memref<3200x8xf32, #tpu.memory_space<hbm>>
    tpu.enqueue_dma source(%dma_start3A_110 : memref<3200x8xf32, #tpu.memory_space<hbm>>) target(%arg4 : memref<3200x8xf32, #tpu.memory_space<vmem>>) target_semaphore(%arg8 : memref<!tpu.dma_semaphore, #tpu.memory_space<semaphore_mem>>)
    %add3A_111 = arith.constant 48 : i32
    %add3A_112 = arith.addi %mul3A_2, %add3A_111 : i32
    %mul3A_113 = arith.constant 200 : i32
    %mul3A_114 = arith.muli %add3A_112, %mul3A_113 : i32
    %dma_wait3A_115 = arith.constant 0 : i32
    %dma_wait3A_116 = tpu.memref_slice %arg2[%mul3A_114, %dma_wait3A_115] : memref<819200x128xf32, #tpu.memory_space<hbm>> -> memref<3200x8xf32, #tpu.memory_space<hbm>>
    %dma_wait3A_117 = arith.constant 0 : i32
    %dma_wait3A_118 = tpu.memref_slice %arg2[%mul3A_114, %dma_wait3A_117] : memref<819200x128xf32, #tpu.memory_space<hbm>> -> memref<3200x8xf32, #tpu.memory_space<hbm>>
    tpu.wait_dma2 semaphore(%arg9 : memref<!tpu.dma_semaphore, #tpu.memory_space<semaphore_mem>>) src(%dma_wait3A_118 : memref<3200x8xf32, #tpu.memory_space<hbm>>) dst(%arg5 : memref<3200x8xf32, #tpu.memory_space<vmem>>)
    %add3A_119 = arith.constant 16 : i32
    %add3A_120 = arith.addi %mul3A_2, %add3A_119 : i32
    %dma_wait3A_121 = arith.constant 0 : i32
    %dma_wait3A_122 = arith.constant 0 : i32
    %dma_wait3A_123 = tpu.memref_slice %arg3[%add3A_120, %dma_wait3A_121, %dma_wait3A_122] : memref<4096x200x2xf32, #tpu.memory_space<hbm>> -> memref<16x200x2xf32, #tpu.memory_space<hbm>>
    %dma_wait3A_124 = arith.constant 0 : i32
    %dma_wait3A_125 = arith.constant 0 : i32
    %dma_wait3A_126 = tpu.memref_slice %arg3[%add3A_120, %dma_wait3A_124, %dma_wait3A_125] : memref<4096x200x2xf32, #tpu.memory_space<hbm>> -> memref<16x200x2xf32, #tpu.memory_space<hbm>>
    tpu.wait_dma2 semaphore(%arg11 : memref<!tpu.dma_semaphore, #tpu.memory_space<semaphore_mem>>) src(%arg7 : memref<16x200x2xf32, #tpu.memory_space<vmem>>) dst(%dma_wait3A_126 : memref<16x200x2xf32, #tpu.memory_space<hbm>>)
    %scan3A_127 = arith.constant 0 : i32
    %scan3A_128 = arith.constant 16 : i32
    %scan3A_129 = arith.addi %scan3A_127, %scan3A_128 : i32
    %scan3A_130 = arith.constant 1 : i32
    scf.for %scan3A_296 = %scan3A_127 to %scan3A_129 step %scan3A_130  : i32 {
      %broadcast_in_dim3A = vector.broadcast %scan3A_296 : i32 to vector<16xi32>
      %scan3A_297 = arith.constant 0 : i32
      %scan3A_298 = arith.constant 25 : i32
      %scan3A_299 = arith.addi %scan3A_297, %scan3A_298 : i32
      %scan3A_300 = arith.constant 1 : i32
      scf.for %scan3A_302 = %scan3A_297 to %scan3A_299 step %scan3A_300  : i32 {
        %mul3A_303 = arith.constant 16 : i32
        %mul3A_304 = arith.muli %scan3A_302, %mul3A_303 : i32
        %add3A_305 = vector.broadcast %mul3A_304 : i32 to vector<16xi32>
        %add3A_306 = arith.addi %add3A_305, %iota3A : vector<16xi32>
        %mul3A_307 = arith.constant 200 : i32
        %mul3A_308 = arith.muli %scan3A_296, %mul3A_307 : i32
        %shift_right_arithmetic3A = arith.constant 1 : i32
        %shift_right_arithmetic3A_309 = vector.broadcast %shift_right_arithmetic3A : i32 to vector<16xi32>
        %shift_right_arithmetic3A_310 = arith.shrsi %add3A_306, %shift_right_arithmetic3A_309 : vector<16xi32>
        %add3A_311 = vector.broadcast %mul3A_308 : i32 to vector<16xi32>
        %add3A_312 = arith.addi %add3A_311, %shift_right_arithmetic3A_310 : vector<16xi32>
        %and3A = arith.constant 1 : i32
        %and3A_313 = vector.broadcast %and3A : i32 to vector<16xi32>
        %and3A_314 = arith.andi %add3A_306, %and3A_313 : vector<16xi32>
        %gather3A = tpu.vector_load_idx %arg5[%add3A_312, %and3A_314] : memref<3200x8xf32, #tpu.memory_space<vmem>>[vector<16xi32>, vector<16xi32>], vector<16xf32>,
        %shift_right_arithmetic3A_315 = arith.constant 1 : i32
        %shift_right_arithmetic3A_316 = vector.broadcast %shift_right_arithmetic3A_315 : i32 to vector<16xi32>
        %shift_right_arithmetic3A_317 = arith.shrsi %add3A_306, %shift_right_arithmetic3A_316 : vector<16xi32>
        tpu.vector_store_idx %arg7[%broadcast_in_dim3A, %shift_right_arithmetic3A_317, %and3A_314], %gather3A : memref<16x200x2xf32, #tpu.memory_space<vmem>>[vector<16xi32>, vector<16xi32>, vector<16xi32>], vector<16xf32>,
      }
      %scan3A_301 = arith.constant 25 : i32
    }
    %scan3A_131 = arith.constant 16 : i32
    %add3A_132 = arith.constant 48 : i32
    %add3A_133 = arith.addi %mul3A_2, %add3A_132 : i32
    %dma_start3A_134 = arith.constant 0 : i32
    %dma_start3A_135 = arith.constant 0 : i32
    %dma_start3A_136 = tpu.memref_slice %arg3[%add3A_133, %dma_start3A_134, %dma_start3A_135] : memref<4096x200x2xf32, #tpu.memory_space<hbm>> -> memref<16x200x2xf32, #tpu.memory_space<hbm>>
    %dma_start3A_137 = arith.constant 0 : i32
    %dma_start3A_138 = arith.constant 0 : i32
    %dma_start3A_139 = tpu.memref_slice %arg3[%add3A_133, %dma_start3A_137, %dma_start3A_138] : memref<4096x200x2xf32, #tpu.memory_space<hbm>> -> memref<16x200x2xf32, #tpu.memory_space<hbm>>
    tpu.enqueue_dma source(%arg7 : memref<16x200x2xf32, #tpu.memory_space<vmem>>) target(%dma_start3A_139 : memref<16x200x2xf32, #tpu.memory_space<hbm>>) target_semaphore(%arg11 : memref<!tpu.dma_semaphore, #tpu.memory_space<semaphore_mem>>)
    %add3A_140 = arith.constant 80 : i32
    %add3A_141 = arith.addi %mul3A_2, %add3A_140 : i32
    %mul3A_142 = arith.constant 200 : i32
    %mul3A_143 = arith.muli %add3A_141, %mul3A_142 : i32
    %dma_start3A_144 = arith.constant 0 : i32
    %dma_start3A_145 = tpu.memref_slice %arg2[%mul3A_143, %dma_start3A_144] : memref<819200x128xf32, #tpu.memory_space<hbm>> -> memref<3200x8xf32, #tpu.memory_space<hbm>>
    %dma_start3A_146 = arith.constant 0 : i32
    %dma_start3A_147 = tpu.memref_slice %arg2[%mul3A_143, %dma_start3A_146] : memref<819200x128xf32, #tpu.memory_space<hbm>> -> memref<3200x8xf32, #tpu.memory_space<hbm>>
    tpu.enqueue_dma source(%dma_start3A_147 : memref<3200x8xf32, #tpu.memory_space<hbm>>) target(%arg5 : memref<3200x8xf32, #tpu.memory_space<vmem>>) target_semaphore(%arg9 : memref<!tpu.dma_semaphore, #tpu.memory_space<semaphore_mem>>)
    %add3A_148 = arith.constant 64 : i32
    %add3A_149 = arith.addi %mul3A_2, %add3A_148 : i32
    %mul3A_150 = arith.constant 200 : i32
    %mul3A_151 = arith.muli %add3A_149, %mul3A_150 : i32
    %dma_wait3A_152 = arith.constant 0 : i32
    %dma_wait3A_153 = tpu.memref_slice %arg2[%mul3A_151, %dma_wait3A_152] : memref<819200x128xf32, #tpu.memory_space<hbm>> -> memref<3200x8xf32, #tpu.memory_space<hbm>>
    %dma_wait3A_154 = arith.constant 0 : i32
    %dma_wait3A_155 = tpu.memref_slice %arg2[%mul3A_151, %dma_wait3A_154] : memref<819200x128xf32, #tpu.memory_space<hbm>> -> memref<3200x8xf32, #tpu.memory_space<hbm>>
    tpu.wait_dma2 semaphore(%arg8 : memref<!tpu.dma_semaphore, #tpu.memory_space<semaphore_mem>>) src(%dma_wait3A_155 : memref<3200x8xf32, #tpu.memory_space<hbm>>) dst(%arg4 : memref<3200x8xf32, #tpu.memory_space<vmem>>)
    %add3A_156 = arith.constant 32 : i32
    %add3A_157 = arith.addi %mul3A_2, %add3A_156 : i32
    %dma_wait3A_158 = arith.constant 0 : i32
    %dma_wait3A_159 = arith.constant 0 : i32
    %dma_wait3A_160 = tpu.memref_slice %arg3[%add3A_157, %dma_wait3A_158, %dma_wait3A_159] : memref<4096x200x2xf32, #tpu.memory_space<hbm>> -> memref<16x200x2xf32, #tpu.memory_space<hbm>>
    %dma_wait3A_161 = arith.constant 0 : i32
    %dma_wait3A_162 = arith.constant 0 : i32
    %dma_wait3A_163 = tpu.memref_slice %arg3[%add3A_157, %dma_wait3A_161, %dma_wait3A_162] : memref<4096x200x2xf32, #tpu.memory_space<hbm>> -> memref<16x200x2xf32, #tpu.memory_space<hbm>>
    tpu.wait_dma2 semaphore(%arg10 : memref<!tpu.dma_semaphore, #tpu.memory_space<semaphore_mem>>) src(%arg6 : memref<16x200x2xf32, #tpu.memory_space<vmem>>) dst(%dma_wait3A_163 : memref<16x200x2xf32, #tpu.memory_space<hbm>>)
    %scan3A_164 = arith.constant 0 : i32
    %scan3A_165 = arith.constant 16 : i32
    %scan3A_166 = arith.addi %scan3A_164, %scan3A_165 : i32
    %scan3A_167 = arith.constant 1 : i32
    scf.for %scan3A_296 = %scan3A_164 to %scan3A_166 step %scan3A_167  : i32 {
      %broadcast_in_dim3A = vector.broadcast %scan3A_296 : i32 to vector<16xi32>
      %scan3A_297 = arith.constant 0 : i32
      %scan3A_298 = arith.constant 25 : i32
      %scan3A_299 = arith.addi %scan3A_297, %scan3A_298 : i32
      %scan3A_300 = arith.constant 1 : i32
      scf.for %scan3A_302 = %scan3A_297 to %scan3A_299 step %scan3A_300  : i32 {
        %mul3A_303 = arith.constant 16 : i32
        %mul3A_304 = arith.muli %scan3A_302, %mul3A_303 : i32
        %add3A_305 = vector.broadcast %mul3A_304 : i32 to vector<16xi32>
        %add3A_306 = arith.addi %add3A_305, %iota3A : vector<16xi32>
        %mul3A_307 = arith.constant 200 : i32
        %mul3A_308 = arith.muli %scan3A_296, %mul3A_307 : i32
        %shift_right_arithmetic3A = arith.constant 1 : i32
        %shift_right_arithmetic3A_309 = vector.broadcast %shift_right_arithmetic3A : i32 to vector<16xi32>
        %shift_right_arithmetic3A_310 = arith.shrsi %add3A_306, %shift_right_arithmetic3A_309 : vector<16xi32>
        %add3A_311 = vector.broadcast %mul3A_308 : i32 to vector<16xi32>
        %add3A_312 = arith.addi %add3A_311, %shift_right_arithmetic3A_310 : vector<16xi32>
        %and3A = arith.constant 1 : i32
        %and3A_313 = vector.broadcast %and3A : i32 to vector<16xi32>
        %and3A_314 = arith.andi %add3A_306, %and3A_313 : vector<16xi32>
        %gather3A = tpu.vector_load_idx %arg4[%add3A_312, %and3A_314] : memref<3200x8xf32, #tpu.memory_space<vmem>>[vector<16xi32>, vector<16xi32>], vector<16xf32>,
        %shift_right_arithmetic3A_315 = arith.constant 1 : i32
        %shift_right_arithmetic3A_316 = vector.broadcast %shift_right_arithmetic3A_315 : i32 to vector<16xi32>
        %shift_right_arithmetic3A_317 = arith.shrsi %add3A_306, %shift_right_arithmetic3A_316 : vector<16xi32>
        tpu.vector_store_idx %arg6[%broadcast_in_dim3A, %shift_right_arithmetic3A_317, %and3A_314], %gather3A : memref<16x200x2xf32, #tpu.memory_space<vmem>>[vector<16xi32>, vector<16xi32>, vector<16xi32>], vector<16xf32>,
      }
      %scan3A_301 = arith.constant 25 : i32
    }
    %scan3A_168 = arith.constant 16 : i32
    %add3A_169 = arith.constant 64 : i32
    %add3A_170 = arith.addi %mul3A_2, %add3A_169 : i32
    %dma_start3A_171 = arith.constant 0 : i32
    %dma_start3A_172 = arith.constant 0 : i32
    %dma_start3A_173 = tpu.memref_slice %arg3[%add3A_170, %dma_start3A_171, %dma_start3A_172] : memref<4096x200x2xf32, #tpu.memory_space<hbm>> -> memref<16x200x2xf32, #tpu.memory_space<hbm>>
    %dma_start3A_174 = arith.constant 0 : i32
    %dma_start3A_175 = arith.constant 0 : i32
    %dma_start3A_176 = tpu.memref_slice %arg3[%add3A_170, %dma_start3A_174, %dma_start3A_175] : memref<4096x200x2xf32, #tpu.memory_space<hbm>> -> memref<16x200x2xf32, #tpu.memory_space<hbm>>
    tpu.enqueue_dma source(%arg6 : memref<16x200x2xf32, #tpu.memory_space<vmem>>) target(%dma_start3A_176 : memref<16x200x2xf32, #tpu.memory_space<hbm>>) target_semaphore(%arg10 : memref<!tpu.dma_semaphore, #tpu.memory_space<semaphore_mem>>)
    %add3A_177 = arith.constant 96 : i32
    %add3A_178 = arith.addi %mul3A_2, %add3A_177 : i32
    %mul3A_179 = arith.constant 200 : i32
    %mul3A_180 = arith.muli %add3A_178, %mul3A_179 : i32
    %dma_start3A_181 = arith.constant 0 : i32
    %dma_start3A_182 = tpu.memref_slice %arg2[%mul3A_180, %dma_start3A_181] : memref<819200x128xf32, #tpu.memory_space<hbm>> -> memref<3200x8xf32, #tpu.memory_space<hbm>>
    %dma_start3A_183 = arith.constant 0 : i32
    %dma_start3A_184 = tpu.memref_slice %arg2[%mul3A_180, %dma_start3A_183] : memref<819200x128xf32, #tpu.memory_space<hbm>> -> memref<3200x8xf32, #tpu.memory_space<hbm>>
    tpu.enqueue_dma source(%dma_start3A_184 : memref<3200x8xf32, #tpu.memory_space<hbm>>) target(%arg4 : memref<3200x8xf32, #tpu.memory_space<vmem>>) target_semaphore(%arg8 : memref<!tpu.dma_semaphore, #tpu.memory_space<semaphore_mem>>)
    %add3A_185 = arith.constant 80 : i32
    %add3A_186 = arith.addi %mul3A_2, %add3A_185 : i32
    %mul3A_187 = arith.constant 200 : i32
    %mul3A_188 = arith.muli %add3A_186, %mul3A_187 : i32
    %dma_wait3A_189 = arith.constant 0 : i32
    %dma_wait3A_190 = tpu.memref_slice %arg2[%mul3A_188, %dma_wait3A_189] : memref<819200x128xf32, #tpu.memory_space<hbm>> -> memref<3200x8xf32, #tpu.memory_space<hbm>>
    %dma_wait3A_191 = arith.constant 0 : i32
    %dma_wait3A_192 = tpu.memref_slice %arg2[%mul3A_188, %dma_wait3A_191] : memref<819200x128xf32, #tpu.memory_space<hbm>> -> memref<3200x8xf32, #tpu.memory_space<hbm>>
    tpu.wait_dma2 semaphore(%arg9 : memref<!tpu.dma_semaphore, #tpu.memory_space<semaphore_mem>>) src(%dma_wait3A_192 : memref<3200x8xf32, #tpu.memory_space<hbm>>) dst(%arg5 : memref<3200x8xf32, #tpu.memory_space<vmem>>)
    %add3A_193 = arith.constant 48 : i32
    %add3A_194 = arith.addi %mul3A_2, %add3A_193 : i32
    %dma_wait3A_195 = arith.constant 0 : i32
    %dma_wait3A_196 = arith.constant 0 : i32
    %dma_wait3A_197 = tpu.memref_slice %arg3[%add3A_194, %dma_wait3A_195, %dma_wait3A_196] : memref<4096x200x2xf32, #tpu.memory_space<hbm>> -> memref<16x200x2xf32, #tpu.memory_space<hbm>>
    %dma_wait3A_198 = arith.constant 0 : i32
    %dma_wait3A_199 = arith.constant 0 : i32
    %dma_wait3A_200 = tpu.memref_slice %arg3[%add3A_194, %dma_wait3A_198, %dma_wait3A_199] : memref<4096x200x2xf32, #tpu.memory_space<hbm>> -> memref<16x200x2xf32, #tpu.memory_space<hbm>>
    tpu.wait_dma2 semaphore(%arg11 : memref<!tpu.dma_semaphore, #tpu.memory_space<semaphore_mem>>) src(%arg7 : memref<16x200x2xf32, #tpu.memory_space<vmem>>) dst(%dma_wait3A_200 : memref<16x200x2xf32, #tpu.memory_space<hbm>>)
    %scan3A_201 = arith.constant 0 : i32
    %scan3A_202 = arith.constant 16 : i32
    %scan3A_203 = arith.addi %scan3A_201, %scan3A_202 : i32
    %scan3A_204 = arith.constant 1 : i32
    scf.for %scan3A_296 = %scan3A_201 to %scan3A_203 step %scan3A_204  : i32 {
      %broadcast_in_dim3A = vector.broadcast %scan3A_296 : i32 to vector<16xi32>
      %scan3A_297 = arith.constant 0 : i32
      %scan3A_298 = arith.constant 25 : i32
      %scan3A_299 = arith.addi %scan3A_297, %scan3A_298 : i32
      %scan3A_300 = arith.constant 1 : i32
      scf.for %scan3A_302 = %scan3A_297 to %scan3A_299 step %scan3A_300  : i32 {
        %mul3A_303 = arith.constant 16 : i32
        %mul3A_304 = arith.muli %scan3A_302, %mul3A_303 : i32
        %add3A_305 = vector.broadcast %mul3A_304 : i32 to vector<16xi32>
        %add3A_306 = arith.addi %add3A_305, %iota3A : vector<16xi32>
        %mul3A_307 = arith.constant 200 : i32
        %mul3A_308 = arith.muli %scan3A_296, %mul3A_307 : i32
        %shift_right_arithmetic3A = arith.constant 1 : i32
        %shift_right_arithmetic3A_309 = vector.broadcast %shift_right_arithmetic3A : i32 to vector<16xi32>
        %shift_right_arithmetic3A_310 = arith.shrsi %add3A_306, %shift_right_arithmetic3A_309 : vector<16xi32>
        %add3A_311 = vector.broadcast %mul3A_308 : i32 to vector<16xi32>
        %add3A_312 = arith.addi %add3A_311, %shift_right_arithmetic3A_310 : vector<16xi32>
        %and3A = arith.constant 1 : i32
        %and3A_313 = vector.broadcast %and3A : i32 to vector<16xi32>
        %and3A_314 = arith.andi %add3A_306, %and3A_313 : vector<16xi32>
        %gather3A = tpu.vector_load_idx %arg5[%add3A_312, %and3A_314] : memref<3200x8xf32, #tpu.memory_space<vmem>>[vector<16xi32>, vector<16xi32>], vector<16xf32>,
        %shift_right_arithmetic3A_315 = arith.constant 1 : i32
        %shift_right_arithmetic3A_316 = vector.broadcast %shift_right_arithmetic3A_315 : i32 to vector<16xi32>
        %shift_right_arithmetic3A_317 = arith.shrsi %add3A_306, %shift_right_arithmetic3A_316 : vector<16xi32>
        tpu.vector_store_idx %arg7[%broadcast_in_dim3A, %shift_right_arithmetic3A_317, %and3A_314], %gather3A : memref<16x200x2xf32, #tpu.memory_space<vmem>>[vector<16xi32>, vector<16xi32>, vector<16xi32>], vector<16xf32>,
      }
      %scan3A_301 = arith.constant 25 : i32
    }
    %scan3A_205 = arith.constant 16 : i32
    %add3A_206 = arith.constant 80 : i32
    %add3A_207 = arith.addi %mul3A_2, %add3A_206 : i32
    %dma_start3A_208 = arith.constant 0 : i32
    %dma_start3A_209 = arith.constant 0 : i32
    %dma_start3A_210 = tpu.memref_slice %arg3[%add3A_207, %dma_start3A_208, %dma_start3A_209] : memref<4096x200x2xf32, #tpu.memory_space<hbm>> -> memref<16x200x2xf32, #tpu.memory_space<hbm>>
    %dma_start3A_211 = arith.constant 0 : i32
    %dma_start3A_212 = arith.constant 0 : i32
    %dma_start3A_213 = tpu.memref_slice %arg3[%add3A_207, %dma_start3A_211, %dma_start3A_212] : memref<4096x200x2xf32, #tpu.memory_space<hbm>> -> memref<16x200x2xf32, #tpu.memory_space<hbm>>
    tpu.enqueue_dma source(%arg7 : memref<16x200x2xf32, #tpu.memory_space<vmem>>) target(%dma_start3A_213 : memref<16x200x2xf32, #tpu.memory_space<hbm>>) target_semaphore(%arg11 : memref<!tpu.dma_semaphore, #tpu.memory_space<semaphore_mem>>)
    %add3A_214 = arith.constant 112 : i32
    %add3A_215 = arith.addi %mul3A_2, %add3A_214 : i32
    %mul3A_216 = arith.constant 200 : i32
    %mul3A_217 = arith.muli %add3A_215, %mul3A_216 : i32
    %dma_start3A_218 = arith.constant 0 : i32
    %dma_start3A_219 = tpu.memref_slice %arg2[%mul3A_217, %dma_start3A_218] : memref<819200x128xf32, #tpu.memory_space<hbm>> -> memref<3200x8xf32, #tpu.memory_space<hbm>>
    %dma_start3A_220 = arith.constant 0 : i32
    %dma_start3A_221 = tpu.memref_slice %arg2[%mul3A_217, %dma_start3A_220] : memref<819200x128xf32, #tpu.memory_space<hbm>> -> memref<3200x8xf32, #tpu.memory_space<hbm>>
    tpu.enqueue_dma source(%dma_start3A_221 : memref<3200x8xf32, #tpu.memory_space<hbm>>) target(%arg5 : memref<3200x8xf32, #tpu.memory_space<vmem>>) target_semaphore(%arg9 : memref<!tpu.dma_semaphore, #tpu.memory_space<semaphore_mem>>)
    %add3A_222 = arith.constant 96 : i32
    %add3A_223 = arith.addi %mul3A_2, %add3A_222 : i32
    %mul3A_224 = arith.constant 200 : i32
    %mul3A_225 = arith.muli %add3A_223, %mul3A_224 : i32
    %dma_wait3A_226 = arith.constant 0 : i32
    %dma_wait3A_227 = tpu.memref_slice %arg2[%mul3A_225, %dma_wait3A_226] : memref<819200x128xf32, #tpu.memory_space<hbm>> -> memref<3200x8xf32, #tpu.memory_space<hbm>>
    %dma_wait3A_228 = arith.constant 0 : i32
    %dma_wait3A_229 = tpu.memref_slice %arg2[%mul3A_225, %dma_wait3A_228] : memref<819200x128xf32, #tpu.memory_space<hbm>> -> memref<3200x8xf32, #tpu.memory_space<hbm>>
    tpu.wait_dma2 semaphore(%arg8 : memref<!tpu.dma_semaphore, #tpu.memory_space<semaphore_mem>>) src(%dma_wait3A_229 : memref<3200x8xf32, #tpu.memory_space<hbm>>) dst(%arg4 : memref<3200x8xf32, #tpu.memory_space<vmem>>)
    %add3A_230 = arith.constant 64 : i32
    %add3A_231 = arith.addi %mul3A_2, %add3A_230 : i32
    %dma_wait3A_232 = arith.constant 0 : i32
    %dma_wait3A_233 = arith.constant 0 : i32
    %dma_wait3A_234 = tpu.memref_slice %arg3[%add3A_231, %dma_wait3A_232, %dma_wait3A_233] : memref<4096x200x2xf32, #tpu.memory_space<hbm>> -> memref<16x200x2xf32, #tpu.memory_space<hbm>>
    %dma_wait3A_235 = arith.constant 0 : i32
    %dma_wait3A_236 = arith.constant 0 : i32
    %dma_wait3A_237 = tpu.memref_slice %arg3[%add3A_231, %dma_wait3A_235, %dma_wait3A_236] : memref<4096x200x2xf32, #tpu.memory_space<hbm>> -> memref<16x200x2xf32, #tpu.memory_space<hbm>>
    tpu.wait_dma2 semaphore(%arg10 : memref<!tpu.dma_semaphore, #tpu.memory_space<semaphore_mem>>) src(%arg6 : memref<16x200x2xf32, #tpu.memory_space<vmem>>) dst(%dma_wait3A_237 : memref<16x200x2xf32, #tpu.memory_space<hbm>>)
    %scan3A_238 = arith.constant 0 : i32
    %scan3A_239 = arith.constant 16 : i32
    %scan3A_240 = arith.addi %scan3A_238, %scan3A_239 : i32
    %scan3A_241 = arith.constant 1 : i32
    scf.for %scan3A_296 = %scan3A_238 to %scan3A_240 step %scan3A_241  : i32 {
      %broadcast_in_dim3A = vector.broadcast %scan3A_296 : i32 to vector<16xi32>
      %scan3A_297 = arith.constant 0 : i32
      %scan3A_298 = arith.constant 25 : i32
      %scan3A_299 = arith.addi %scan3A_297, %scan3A_298 : i32
      %scan3A_300 = arith.constant 1 : i32
      scf.for %scan3A_302 = %scan3A_297 to %scan3A_299 step %scan3A_300  : i32 {
        %mul3A_303 = arith.constant 16 : i32
        %mul3A_304 = arith.muli %scan3A_302, %mul3A_303 : i32
        %add3A_305 = vector.broadcast %mul3A_304 : i32 to vector<16xi32>
        %add3A_306 = arith.addi %add3A_305, %iota3A : vector<16xi32>
        %mul3A_307 = arith.constant 200 : i32
        %mul3A_308 = arith.muli %scan3A_296, %mul3A_307 : i32
        %shift_right_arithmetic3A = arith.constant 1 : i32
        %shift_right_arithmetic3A_309 = vector.broadcast %shift_right_arithmetic3A : i32 to vector<16xi32>
        %shift_right_arithmetic3A_310 = arith.shrsi %add3A_306, %shift_right_arithmetic3A_309 : vector<16xi32>
        %add3A_311 = vector.broadcast %mul3A_308 : i32 to vector<16xi32>
        %add3A_312 = arith.addi %add3A_311, %shift_right_arithmetic3A_310 : vector<16xi32>
        %and3A = arith.constant 1 : i32
        %and3A_313 = vector.broadcast %and3A : i32 to vector<16xi32>
        %and3A_314 = arith.andi %add3A_306, %and3A_313 : vector<16xi32>
        %gather3A = tpu.vector_load_idx %arg4[%add3A_312, %and3A_314] : memref<3200x8xf32, #tpu.memory_space<vmem>>[vector<16xi32>, vector<16xi32>], vector<16xf32>,
        %shift_right_arithmetic3A_315 = arith.constant 1 : i32
        %shift_right_arithmetic3A_316 = vector.broadcast %shift_right_arithmetic3A_315 : i32 to vector<16xi32>
        %shift_right_arithmetic3A_317 = arith.shrsi %add3A_306, %shift_right_arithmetic3A_316 : vector<16xi32>
        tpu.vector_store_idx %arg6[%broadcast_in_dim3A, %shift_right_arithmetic3A_317, %and3A_314], %gather3A : memref<16x200x2xf32, #tpu.memory_space<vmem>>[vector<16xi32>, vector<16xi32>, vector<16xi32>], vector<16xf32>,
      }
      %scan3A_301 = arith.constant 25 : i32
    }
    %scan3A_242 = arith.constant 16 : i32
    %add3A_243 = arith.constant 96 : i32
    %add3A_244 = arith.addi %mul3A_2, %add3A_243 : i32
    %dma_start3A_245 = arith.constant 0 : i32
    %dma_start3A_246 = arith.constant 0 : i32
    %dma_start3A_247 = tpu.memref_slice %arg3[%add3A_244, %dma_start3A_245, %dma_start3A_246] : memref<4096x200x2xf32, #tpu.memory_space<hbm>> -> memref<16x200x2xf32, #tpu.memory_space<hbm>>
    %dma_start3A_248 = arith.constant 0 : i32
    %dma_start3A_249 = arith.constant 0 : i32
    %dma_start3A_250 = tpu.memref_slice %arg3[%add3A_244, %dma_start3A_248, %dma_start3A_249] : memref<4096x200x2xf32, #tpu.memory_space<hbm>> -> memref<16x200x2xf32, #tpu.memory_space<hbm>>
    tpu.enqueue_dma source(%arg6 : memref<16x200x2xf32, #tpu.memory_space<vmem>>) target(%dma_start3A_250 : memref<16x200x2xf32, #tpu.memory_space<hbm>>) target_semaphore(%arg10 : memref<!tpu.dma_semaphore, #tpu.memory_space<semaphore_mem>>)
    %add3A_251 = arith.constant 112 : i32
    %add3A_252 = arith.addi %mul3A_2, %add3A_251 : i32
    %mul3A_253 = arith.constant 200 : i32
    %mul3A_254 = arith.muli %add3A_252, %mul3A_253 : i32
    %dma_wait3A_255 = arith.constant 0 : i32
    %dma_wait3A_256 = tpu.memref_slice %arg2[%mul3A_254, %dma_wait3A_255] : memref<819200x128xf32, #tpu.memory_space<hbm>> -> memref<3200x8xf32, #tpu.memory_space<hbm>>
    %dma_wait3A_257 = arith.constant 0 : i32
    %dma_wait3A_258 = tpu.memref_slice %arg2[%mul3A_254, %dma_wait3A_257] : memref<819200x128xf32, #tpu.memory_space<hbm>> -> memref<3200x8xf32, #tpu.memory_space<hbm>>
    tpu.wait_dma2 semaphore(%arg9 : memref<!tpu.dma_semaphore, #tpu.memory_space<semaphore_mem>>) src(%dma_wait3A_258 : memref<3200x8xf32, #tpu.memory_space<hbm>>) dst(%arg5 : memref<3200x8xf32, #tpu.memory_space<vmem>>)
    %add3A_259 = arith.constant 80 : i32
    %add3A_260 = arith.addi %mul3A_2, %add3A_259 : i32
    %dma_wait3A_261 = arith.constant 0 : i32
    %dma_wait3A_262 = arith.constant 0 : i32
    %dma_wait3A_263 = tpu.memref_slice %arg3[%add3A_260, %dma_wait3A_261, %dma_wait3A_262] : memref<4096x200x2xf32, #tpu.memory_space<hbm>> -> memref<16x200x2xf32, #tpu.memory_space<hbm>>
    %dma_wait3A_264 = arith.constant 0 : i32
    %dma_wait3A_265 = arith.constant 0 : i32
    %dma_wait3A_266 = tpu.memref_slice %arg3[%add3A_260, %dma_wait3A_264, %dma_wait3A_265] : memref<4096x200x2xf32, #tpu.memory_space<hbm>> -> memref<16x200x2xf32, #tpu.memory_space<hbm>>
    tpu.wait_dma2 semaphore(%arg11 : memref<!tpu.dma_semaphore, #tpu.memory_space<semaphore_mem>>) src(%arg7 : memref<16x200x2xf32, #tpu.memory_space<vmem>>) dst(%dma_wait3A_266 : memref<16x200x2xf32, #tpu.memory_space<hbm>>)
    %scan3A_267 = arith.constant 0 : i32
    %scan3A_268 = arith.constant 16 : i32
    %scan3A_269 = arith.addi %scan3A_267, %scan3A_268 : i32
    %scan3A_270 = arith.constant 1 : i32
    scf.for %scan3A_296 = %scan3A_267 to %scan3A_269 step %scan3A_270  : i32 {
      %broadcast_in_dim3A = vector.broadcast %scan3A_296 : i32 to vector<16xi32>
      %scan3A_297 = arith.constant 0 : i32
      %scan3A_298 = arith.constant 25 : i32
      %scan3A_299 = arith.addi %scan3A_297, %scan3A_298 : i32
      %scan3A_300 = arith.constant 1 : i32
      scf.for %scan3A_302 = %scan3A_297 to %scan3A_299 step %scan3A_300  : i32 {
        %mul3A_303 = arith.constant 16 : i32
        %mul3A_304 = arith.muli %scan3A_302, %mul3A_303 : i32
        %add3A_305 = vector.broadcast %mul3A_304 : i32 to vector<16xi32>
        %add3A_306 = arith.addi %add3A_305, %iota3A : vector<16xi32>
        %mul3A_307 = arith.constant 200 : i32
        %mul3A_308 = arith.muli %scan3A_296, %mul3A_307 : i32
        %shift_right_arithmetic3A = arith.constant 1 : i32
        %shift_right_arithmetic3A_309 = vector.broadcast %shift_right_arithmetic3A : i32 to vector<16xi32>
        %shift_right_arithmetic3A_310 = arith.shrsi %add3A_306, %shift_right_arithmetic3A_309 : vector<16xi32>
        %add3A_311 = vector.broadcast %mul3A_308 : i32 to vector<16xi32>
        %add3A_312 = arith.addi %add3A_311, %shift_right_arithmetic3A_310 : vector<16xi32>
        %and3A = arith.constant 1 : i32
        %and3A_313 = vector.broadcast %and3A : i32 to vector<16xi32>
        %and3A_314 = arith.andi %add3A_306, %and3A_313 : vector<16xi32>
        %gather3A = tpu.vector_load_idx %arg5[%add3A_312, %and3A_314] : memref<3200x8xf32, #tpu.memory_space<vmem>>[vector<16xi32>, vector<16xi32>], vector<16xf32>,
        %shift_right_arithmetic3A_315 = arith.constant 1 : i32
        %shift_right_arithmetic3A_316 = vector.broadcast %shift_right_arithmetic3A_315 : i32 to vector<16xi32>
        %shift_right_arithmetic3A_317 = arith.shrsi %add3A_306, %shift_right_arithmetic3A_316 : vector<16xi32>
        tpu.vector_store_idx %arg7[%broadcast_in_dim3A, %shift_right_arithmetic3A_317, %and3A_314], %gather3A : memref<16x200x2xf32, #tpu.memory_space<vmem>>[vector<16xi32>, vector<16xi32>, vector<16xi32>], vector<16xf32>,
      }
      %scan3A_301 = arith.constant 25 : i32
    }
    %scan3A_271 = arith.constant 16 : i32
    %add3A_272 = arith.constant 112 : i32
    %add3A_273 = arith.addi %mul3A_2, %add3A_272 : i32
    %dma_start3A_274 = arith.constant 0 : i32
    %dma_start3A_275 = arith.constant 0 : i32
    %dma_start3A_276 = tpu.memref_slice %arg3[%add3A_273, %dma_start3A_274, %dma_start3A_275] : memref<4096x200x2xf32, #tpu.memory_space<hbm>> -> memref<16x200x2xf32, #tpu.memory_space<hbm>>
    %dma_start3A_277 = arith.constant 0 : i32
    %dma_start3A_278 = arith.constant 0 : i32
    %dma_start3A_279 = tpu.memref_slice %arg3[%add3A_273, %dma_start3A_277, %dma_start3A_278] : memref<4096x200x2xf32, #tpu.memory_space<hbm>> -> memref<16x200x2xf32, #tpu.memory_space<hbm>>
    tpu.enqueue_dma source(%arg7 : memref<16x200x2xf32, #tpu.memory_space<vmem>>) target(%dma_start3A_279 : memref<16x200x2xf32, #tpu.memory_space<hbm>>) target_semaphore(%arg11 : memref<!tpu.dma_semaphore, #tpu.memory_space<semaphore_mem>>)
    %add3A_280 = arith.constant 96 : i32
    %add3A_281 = arith.addi %mul3A_2, %add3A_280 : i32
    %dma_wait3A_282 = arith.constant 0 : i32
    %dma_wait3A_283 = arith.constant 0 : i32
    %dma_wait3A_284 = tpu.memref_slice %arg3[%add3A_281, %dma_wait3A_282, %dma_wait3A_283] : memref<4096x200x2xf32, #tpu.memory_space<hbm>> -> memref<16x200x2xf32, #tpu.memory_space<hbm>>
    %dma_wait3A_285 = arith.constant 0 : i32
    %dma_wait3A_286 = arith.constant 0 : i32
    %dma_wait3A_287 = tpu.memref_slice %arg3[%add3A_281, %dma_wait3A_285, %dma_wait3A_286] : memref<4096x200x2xf32, #tpu.memory_space<hbm>> -> memref<16x200x2xf32, #tpu.memory_space<hbm>>
    tpu.wait_dma2 semaphore(%arg10 : memref<!tpu.dma_semaphore, #tpu.memory_space<semaphore_mem>>) src(%arg6 : memref<16x200x2xf32, #tpu.memory_space<vmem>>) dst(%dma_wait3A_287 : memref<16x200x2xf32, #tpu.memory_space<hbm>>)
    %add3A_288 = arith.constant 112 : i32
    %add3A_289 = arith.addi %mul3A_2, %add3A_288 : i32
    %dma_wait3A_290 = arith.constant 0 : i32
    %dma_wait3A_291 = arith.constant 0 : i32
    %dma_wait3A_292 = tpu.memref_slice %arg3[%add3A_289, %dma_wait3A_290, %dma_wait3A_291] : memref<4096x200x2xf32, #tpu.memory_space<hbm>> -> memref<16x200x2xf32, #tpu.memory_space<hbm>>
    %dma_wait3A_293 = arith.constant 0 : i32
    %dma_wait3A_294 = arith.constant 0 : i32
    %dma_wait3A_295 = tpu.memref_slice %arg3[%add3A_289, %dma_wait3A_293, %dma_wait3A_294] : memref<4096x200x2xf32, #tpu.memory_space<hbm>> -> memref<16x200x2xf32, #tpu.memory_space<hbm>>
    tpu.wait_dma2 semaphore(%arg11 : memref<!tpu.dma_semaphore, #tpu.memory_space<semaphore_mem>>) src(%arg7 : memref<16x200x2xf32, #tpu.memory_space<vmem>>) dst(%dma_wait3A_295 : memref<16x200x2xf32, #tpu.memory_space<hbm>>)
    return
  }
}

</mosaic_0001>

<sc_bundles>
// kernel: kernel.3.cloned.1.call-start
scs
__scs_entry_jumppad:
0x0: {  	(pc) =	sbr.rel $0x88, $3  }
0x1: {  	(tag) =	ssettag $0x0;
	lr =	simm.s32 $0x1  }
0x2: {  	[smem:$0x3FA0] =	sst lr;
	_ =	strace $0xD0000000  }
0x3: {  	_ = 	snop  }
0x4: {  	_ = 	snop  }
0x5: {  	_ = 	snop  }
0x6: {  	_ = 	snop  }
0x7: {  	_ = 	snop  }
__scs_overlays_trampoline_lowered:
0x8: {  	[smem:$0x3FAF] =	sst s0  }
0x9: {  	[smem:$0x3FB0] =	sst s1  }
0xa: {  	[smem:$0x3FB1] =	sst s2  }
0xb: {  	[smem:$0x3FB2] =	sst s3  }
0xc: {  	[smem:$0x3FB3] =	sst s4  }
0xd: {  	[smem:$0x3FB4] =	sst s5  }
0xe: {  	[smem:$0x3FB5] =	sst s6  }
0xf: {  	[smem:$0x3FB6] =	sst s7  }
0x10: {  	[smem:$0x3FB7] =	sst s8  }
0x11: {  	[smem:$0x3FB8] =	sst s9;
	s0 =	simm.s32 @!p0 $0x0  }
0x12: {  	s1 =	sld [smem:$0x3F9E];
	s0 =	simm.s32 @p0 $0x1  }
0x13: {  	[smem:$0x3FB9] =	sst s0;
	s0 =	simm.s32 @!p1 $0x0  }
0x14: {  	s2 =	sld [smem:$0x3F9D];
	s0 =	simm.s32 @p1 $0x1  }
0x15: {  	[smem:$0x3FBA] =	sst s0;
	s0 =	simm.s32 @!p2 $0x0  }
0x16: {  	s3 =	sld [smem:$0x3FDB];
	s0 =	simm.s32 @p2 $0x1  }
0x17: {  	s4 =	simm.s32 $0x1BF5;
	[smem:$0x3FBC] =	sst s0  }
0x18: {  	s0 =	sld [smem:$0x3F9F];
	_ =	swait.ge [sflag:s4], $0x0  }
0x19: {  	s7 =	sld [smem:$0x3FA0]  }
0x1a: {  	s8 =	sadd.s32 $0xFFFFE003, lr  }
0x1b: {  	s9 =	sadd.s32 $0xFFFFFEF7, lr;
	s5 =	simm.s32 $0xFFFFFFFF;
	p2 =	slt.u32 s8, $0xFFFFF086  }
0x1c: {  	p1 =	slt.u32 s9, $0xF7A;
	s5 =	simm.s32 @!p2 $0x0  }
0x1d: {  	s5 =	simm.s32 @p1 $0x1;
	p0 =	seq.s32 s7, s2  }
0x1e: {  	s7 =	smul.u32 @!p0 $0xF7A, s2;
	p2 =	seq.s32 @!p0 s5, $0x0  }
0x1f: {  	s9 =	smul.u32 $0xF7A, s1;
	s8 =	simm.s32 @!p0 $0x1BF5;
	p2 =	por !p2, p0  }
0x20: {  	[sflag:s8] =	ssyncset.s32 @!p0 $0xFFFFF086;
	s6 =	sadd.s32 @!p0 s3, s7;
	s7 =	simm.s32 @!p0 $0x108  }
0x21: {  	s3 =	sadd.s32 s3, s9;
	s6 =	sadd.s32 @!p0 $0x88, s6;
	s7 =	simm.s32 @p2 $0x1082  }
0x22: {  	[simem:s7], [sflag:s8] =	dma.local @!p0 [hbm:s6], $0xF7A  }
0x23: {  	s9 =	sor.u32 $0xD0000000, s2;
	s6 =	simm.s32 $0x108;
	_ =	swait.ge @!p0 [sflag:s8], $0x0  }
0x24: {  	s3 =	sadd.s32 $0x88, s3;
	s6 =	simm.s32 @!p1 $0x1082;
	[sflag:s4] =	ssyncset.s32 $0xFFFFF086  }
0x25: {  	[simem:s6], [sflag:s4] =	dma.local [hbm:s3], $0xF7A  }
0x26: {  	[smem:$0x3FA0] =	sst s1;
	(tag) =	ssettag s2;
	_ =	strace s9  }
0x27: {  	s1 =	sld [smem:$0x3FB0]  }
0x28: {  	s2 =	sld [smem:$0x3FB1]  }
0x29: {  	s4 =	sld [smem:$0x3FB3]  }
0x2a: {  	p0 =	seq.s32 s5, $0x0;
	s5 =	sld [smem:$0x3FB4]  }
0x2b: {  	s6 =	sld [smem:$0x3FB5]  }
0x2c: {  	s7 =	sld [smem:$0x3FB6]  }
0x2d: {  	s3 =	simm.s32 $0x108;
	s8 =	sld [smem:$0x3FB7]  }
0x2e: {  	s3 =	simm.s32 @!p0 $0x1082;
	s9 =	sld [smem:$0x3FB8]  }
0x2f: {  	lr =	sadd.s32 s0, s3;
	s0 =	sld [smem:$0x3FAF]  }
0x30: {  	s3 =	sld [smem:$0x3FB2]  }
0x31: {  	[smem:$0x3FBB] =	sst s10  }
0x32: {  	s10 =	sld [smem:$0x3FB9];
	_ =	sdelay $0x3  }
0x33: {  	p0 =	seq.s32 s10, $0x1;
	s10 =	sld [smem:$0x3FBB];
	_ =	sdelay $0x3  }
0x34: {  	[smem:$0x3FBB] =	sst s10  }
0x35: {  	s10 =	sld [smem:$0x3FBA];
	_ =	sdelay $0x3  }
0x36: {  	p1 =	seq.s32 s10, $0x1;
	s10 =	sld [smem:$0x3FBB];
	_ =	sdelay $0x3  }
0x37: {  	[smem:$0x3FBB] =	sst s10  }
0x38: {  	s10 =	sld [smem:$0x3FBC]  }
0x39: {  	_ = 	snop;
	(pc) =	sbr.ind lr, $3  }
0x3a: {  	_ = 	snop  }
0x3b: {  	_ = 	snop  }
0x3c: {  	p2 =	seq.s32 s10, $0x1;
	s10 =	sld [smem:$0x3FBB]  }
0x3d: {  	_ =	shalt  }
0x3e: {  	_ =	shalt  }
0x3f: {  	_ =	shalt  }
0x40: {  	_ =	shalt  }
0x41: {  	_ =	shalt  }
0x42: {  	_ =	shalt  }
0x43: {  	_ =	shalt  }
0x44: {  	_ =	shalt  }
0x45: {  	_ =	shalt  }
0x46: {  	_ =	shalt  }
0x47: {  	_ =	shalt  }
0x48: {  	_ =	shalt  }
0x49: {  	_ =	shalt  }
0x4a: {  	_ =	shalt  }
0x4b: {  	_ =	shalt  }
0x4c: {  	_ =	shalt  }
0x4d: {  	_ =	shalt  }
0x4e: {  	_ =	shalt  }
0x4f: {  	_ =	shalt  }
0x50: {  	_ =	shalt  }
0x51: {  	_ =	shalt  }
0x52: {  	_ =	shalt  }
0x53: {  	_ =	shalt  }
0x54: {  	_ =	shalt  }
0x55: {  	_ =	shalt  }
0x56: {  	_ =	shalt  }
0x57: {  	_ =	shalt  }
0x58: {  	_ =	shalt  }
0x59: {  	_ =	shalt  }
0x5a: {  	_ =	shalt  }
0x5b: {  	_ =	shalt  }
0x5c: {  	_ =	shalt  }
0x5d: {  	_ =	shalt  }
0x5e: {  	_ =	shalt  }
0x5f: {  	_ =	shalt  }
0x60: {  	_ =	shalt  }
0x61: {  	_ =	shalt  }
0x62: {  	_ =	shalt  }
0x63: {  	_ =	shalt  }
0x64: {  	_ =	shalt  }
0x65: {  	_ =	shalt  }
0x66: {  	_ =	shalt  }
0x67: {  	_ =	shalt  }
0x68: {  	_ =	shalt  }
0x69: {  	_ =	shalt  }
0x6a: {  	_ =	shalt  }
0x6b: {  	_ =	shalt  }
0x6c: {  	_ =	shalt  }
0x6d: {  	_ =	shalt  }
0x6e: {  	_ =	shalt  }
0x6f: {  	_ =	shalt  }
0x70: {  	_ =	shalt  }
0x71: {  	_ =	shalt  }
0x72: {  	_ =	shalt  }
0x73: {  	_ =	shalt  }
0x74: {  	_ =	shalt  }
0x75: {  	_ =	shalt  }
0x76: {  	_ =	shalt  }
0x77: {  	_ =	shalt  }
0x78: {  	_ =	shalt  }
0x79: {  	_ =	shalt  }
0x7a: {  	_ =	shalt  }
0x7b: {  	_ =	shalt  }
0x7c: {  	_ =	shalt  }
0x7d: {  	_ =	shalt  }
0x7e: {  	_ =	shalt  }
0x7f: {  	_ =	shalt  }
0x80: {  	_ =	shalt  }
0x81: {  	_ =	shalt  }
0x82: {  	_ =	shalt  }
0x83: {  	_ =	shalt  }
0x84: {  	_ =	shalt  }
0x85: {  	_ =	shalt  }
0x86: {  	_ =	shalt  }
0x87: {  	_ =	shalt  }
.Lfunc_end0:
.L_simem_size_0:
called_computation_lowered:
.L_overlay_start_0:
0x88: {  	s2 =	sld [smem:$0x3FD9]  }
0x89: {  	s3 =	sld [smem:$0x3FFE];
	_ =	sdelay $0x1  }
0x8a: {  	s1 =	srdreg.scid  }
0x8b: {  	s0 =	sand.u32 $0x1, s1  }
0x8c: {  	s17 =	sshll.u32 s0, $0xA;
	s2 =	sadd.s32 s3, s2  }
0x8d: {  	s2 =	sadd.s32 s2, s17  }
0x8e: {  	[smem:$0x3FC7] =	sst s2  }
0x8f: {  	_ = 	snop  }
0x90: {  	s2 =	sld [smem:$0x3FC9];
	(tm) =	ssettm $0x1  }
0x91: {  	s18 =	sld [smem:$0x3FFB];
	_ =	sdelay $0x3  }
0x92: {  	_ =	strace s18  }
0x93: {  	s3 =	sld [smem:$0x3FFC];
	_ =	sdelay $0x3  }
0x94: {  	_ =	strace s3  }
0x95: {  	s3 =	sld [smem:$0x3FFD];
	_ =	sdelay $0x3  }
0x96: {  	_ =	strace s3  }
0x97: {  	_ =	strace $0x8FFFFFFF  }
0x98: {  	s19 =	sld [smem:$0x3FDB];
	_ =	sdelay $0x1  }
0x99: {  	s4 =	simm.s32 $_scs_section_size  }
0x9a: {  	s5 =	simm.s32 $_size__tile_overlayer_lowered;
	s6 =	simm.s32 $_tile_overlayer_lowered  }
0x9b: {  	s22 =	simm.s32 $0x1BFF;
	s21 =	sshll.u32 s6, $0x1;
	s3 =	sadd.s32 s4, s19  }
0x9c: {  	s7 =	simm.s32 $0x0;
	s20 =	sshll.u32 s5, $0x1;
	s5 =	sadd.s32 s21, s3  }
0x9d: {  	[timem:s7], [sflag:s22] =	dma.local [hbm:s5], s20  }
0x9e: {  	_ =	swait.ge [sflag:s22], s20  }
0x9f: {  	s4 =	ssub.s32 $0x0, s20;
	[sflag:s22] =	ssyncset.done $0x0  }
0xa0: {  	[sflag:s22] =	ssyncadd.s32 s4;
	_ =	sdelay $0x1  }
0xa1: {  	s23 =	simm.s32 $0x1B8B  }
0xa2: {  	_ =	swait.ge [sflag:s23], $0x1  }
0xa3: {  	[sflag:s23] =	ssyncset.done $0x0  }
0xa4: {  	s25 =	simm.s32 $0x1B8E;
	s24 =	sld [smem:$0x3FFE];
	[sflag:s23] =	ssyncadd.s32 $0xFFFFFFFF  }
0xa5: {  	s26 =	simm.s32 $execute0_lowered;
	[smem:$0x3FD2] =	sst s25  }
0xa6: {  	s5 =	sshll.u32 s26, $0x1;
	_ =	strace $0x80000046;
	[dreg:$0x1] =	wrdreg $0xFFFFFFFF  }
0xa7: {  	s28 =	simm.s32 $_size_execute0_lowered;
	s3 =	sadd.s32 s3, s5;
	[dreg:$0x0] =	wrdreg $0x0  }
0xa8: {  	s5 =	sshll.u32 s28, $0x1;
	[dreg:$0x2] =	wrdreg s3  }
0xa9: {  	[dreg:$0x3] =	wrdreg s5  }
0xaa: {  	[dreg:$0x4] =	wrdreg $0xC0  }
0xab: {  	_ =	task [dreg:s7], $0x5FFFF  }
0xac: {  	[dreg:$0x1] =	wrdreg $0xFFFFFFFF  }
0xad: {  	[dreg:$0x0] =	wrdreg $0x60  }
0xae: {  	[dreg:$0x2] =	wrdreg s2  }
0xaf: {  	[dreg:$0x3] =	wrdreg s24  }
0xb0: {  	[dreg:$0x4] =	wrdreg $0x9  }
0xb1: {  	_ =	task.clear_ibuf [dreg:s7], $0x5FFFF;
	_ =	strace $0x90000046  }
0xb2: {  	s29 =	simm.s32 $0x9;
	_ =	strace $0x80000048  }
0xb3: {  	_ =	swait.ge [sflag:s29], $0x1  }
0xb4: {  	[sflag:s29] =	ssyncadd.s32 $0xFFFFFFFF  }
0xb5: {  	_ =	strace $0x90000048  }
0xb6: {  	_ =	sfence  }
0xb7: {  	s30 =	sld [smem:$0x0];
	_ =	sdelay $0x2  }
0xb8: {  	s31 =	sshll.u32 s1, $0xD;
	s1 =	sshrl.u32 s1, $0x2  }
0xb9: {  	s3 =	sand.u32 $0x4000, s31;
	s1 =	sadd.s32 s1, s30  }
0xba: {  	s0 =	sor.u32 s3, s0;
	s1 =	sshll.u32 s1, $0x11  }
0xbb: {  	s0 =	sor.u32 s1, s0  }
0xbc: {  	s0 =	sadd.s32 $0x8F2B, s0  }
0xbd: {  	[sflag:s0] =	ssyncadd.remote.s32 $0x1  }
0xbe: {  	_ =	sfence.sel $0xFFFF  }
0xbf: {  	[dreg:$0x0] =	wrdreg $0xFFFFFFFF;
	(pc) =	sbr.abs _section_cstart, $3  }
0xc0: {  	[dreg:$0x1] =	wrdreg $0xFFFFFFFF  }
0xc1: {  	_ =	task.clear_ibuf [dreg:s7], $0x2FFFF;
	_ =	strace $0x9FFFFFFF  }
0xc2: {  	(tm) =	ssettm $0x7FFFFFFF  }
0xc3: {  	_ =	shalt  }
tec
execute0_lowered:
.L_overlay_start_1:
0x0: {  	(tag) =	ssettag $0x1  }
0x1: {  	s0 =	srdreg.scid;
	s1 =	stileid.u32  }
0x2: {  	s0 =	sand.u32 $0x1, s0;
	s1 =	sshll.u32 s1, $0x1  }
0x3: {  	s1 =	sor.u32 s0, s1  }
0x4: {  	s9 =	sshll.u32 s1, $0x7;
	s3 =	smul.u32 $0x64000, s1  }
0x5: {  	s1 =	smul.u32 $0x6400, s1;
	s4 =	sor.u32 $0x10, s9  }
0x6: {  	s7 =	sor.u32 $0x20, s9;
	s5 =	smul.u32 $0xC80, s4  }
0x7: {  	s8 =	smul.u32 $0xC80, s7  }
0x8: {  	s22 =	sor.u32 $0x30, s9;
	s10 =	smul.u32 $0xC8, s4  }
0x9: {  	s11 =	smul.u32 $0xC80, s22  }
0xa: {  	s16 =	rddreg [dreg:$0x0];
	s23 =	sor.u32 $0x40, s9;
	s12 =	smul.u32 $0xC8, s7  }
0xb: {  	s6 =	rddreg [dreg:$0x1];
	s13 =	smul.u32 $0xC80, s23  }
0xc: {  	s2 =	simm.s32 $0x0;
	s15 =	sor.u32 $0x50, s9;
	s14 =	smul.u32 $0xC8, s22  }
0xd: {  	s28 =	simm.s32 $0x3;
	s29 =	simm.s32 $0x4;
	s17 =	smul.u32 $0xC80, s15  }
0xe: {  	s30 =	simm.s32 $0x0;
	s19 =	sor.u32 $0x60, s9;
	s25 =	smul.u32 $0xC8, s23  }
0xf: {  	[smem:$0x7FF] =	sst s2;
	s18 =	sadd.s32 $0x400, s6;
	s20 =	smul.u32 $0xC80, s19  }
0x10: {  	s0 =	ssub.s32 $0x2, s0;
	s21 =	sor.u32 $0x70, s9;
	s15 =	smul.u32 $0xC8, s15  }
0x11: {  	_ =	strace $0x80000047;
	s24 =	sshrl.u32 s0, $0x1;
	s22 =	smul.u32 $0xC80, s21  }
0x12: {  	s0 =	ssub.s32 s0, s24;
	s24 =	simm.s32 $0xC800;
	s26 =	smul.u32 $0xC8, s19  }
0x13: {  	s3 =	sadd.s32 s16, s3;
	s31 =	smul.u32 $0xC8, s21;
	s19 =	smax.u32 s0, $0x1  }
0x14: {  	s21 =	simm.s32 $0x80;
	s23 =	simm.s32 $0x1;
	s4 =	sadd.s32 s16, s5  }
0x15: {  	s5 =	sadd.s32 s18, s1;
	s6 =	sadd.s32 s16, s8;
	s7 =	sadd.s32 s18, s10  }
0x16: {  	s8 =	sadd.s32 s16, s11;
	s9 =	sadd.s32 s18, s12;
	s10 =	sadd.s32 s16, s13  }
0x17: {  	s11 =	sadd.s32 s18, s14;
	s12 =	sadd.s32 s16, s17;
	s13 =	sadd.s32 s18, s25  }
0x18: {  	s14 =	sadd.s32 s16, s20;
	s15 =	sadd.s32 s18, s15;
	s16 =	sadd.s32 s16, s22  }
0x19: {  	v0 =	vlaneseq.u32;
	s17 =	sadd.s32 s18, s26;
	s18 =	sadd.s32 s18, s31;
	s20 =	simm.s32 $0x8  }
0x1a: {  	v1 =	vand.u32 $0x1, v0;
	s22 =	simm.s32 $0x6400;
	s25 =	simm.s32 $0x2;
	s26 =	simm.s32 $0x12C00  }
.LBB2_1:
0x1b: {  	[tilespmem:s2], [sflag:$0x1] =	stream.strided.gather [hbm4b:s3+s20], $0x6400, s21, s20, $0x38;
	[tilespmem:$0x19000] =	vst v63  }
0x1c: {  	_ = 	snop  }
0x1d: {  	[tilespmem:s22], [sflag:$0x2] =	stream.strided.gather [hbm4b:s4+s20], $0x6400, s21, s20, $0x38;
	[tilespmem:$0x19000] =	vst v63  }
0x1e: {  	_ =	swait.ge [sflag:s23], $0x6400  }
0x1f: {  	[sflag:s23] =	ssyncset.done $0x0  }
0x20: {  	s31 =	simm.s32 $0x0;
	[sflag:s23] =	ssyncadd.s32 $0xFFFF9C00  }
.LBB2_2:
0x21: {  	s0 =	smul.u32 $0xC8, s31;
	s1 =	simm.s32 $0x0  }
0x22: {  	v3 =	vor.u32 s1, v0  }
0x23: {  	v2 =	vmov s0;
	v5 =	vshrl.u32 v3, $0x1  }
0x24: {  	v3 =	vadd.s32 v2, v5  }
0x25: {  	v4 =	vmov s31;
	v3 =	vshll.u32 v3, $0x3  }
0x26: {  	v4 =	vmul.u32 $0x640, v4;
	v6 =	vor.u32 v1, v3  }
0x27: {  	s1 =	simm.s32 $0x10  }
0x28: {  	v7 =	vbroadcast v4, $0x0;
	v3 =	vor.u32 s1, v0  }
0x29: {  	v4 =	vshrl.u32 v3, $0x1  }
0x2a: {  	v3 =	vor.u32 v1, v7;
	v7 =	vshll.u32 v5, $0x3;
	v8 =	vadd.s32 v2, v4  }
0x2b: {  	v7 =	vadd.s32 v3, v7;
	v8 =	vshll.u32 v8, $0x3;
	v5 =	vld.idx.msk [tilespmem:v6+s2+$0x0], $0xffff  }
0x2c: {  	v6 =	vor.u32 v1, v8;
	_ =	sdelay $0x1  }
0x2d: {  	s1 =	simm.s32 $0x20  }
0x2e: {  	v8 =	vor.u32 s1, v0;
	s1 =	simm.s32 $0x30  }
.LBB2_3:
0x2f: {  	p0 =	sne.s32 s1, $0x180;
	v8 =	vshrl.u32 v8, $0x1;
	[tilespmem:v7+s24+$0x0] =	vst.idx.msk $0xffff, v5  }
0x30: {  	v7 =	vadd.s32 v2, v8;
	v5 =	vld.idx.msk [tilespmem:v6+s2+$0x0], $0xffff;
	v6 =	vshll.u32 v4, $0x3;
	v4 =	vmov v8  }
.Ltmp0:
0x31: {  	v8 =	vshll.u32 v7, $0x3;
	v7 =	vadd.s32 v3, v6;
	(pc) =	sbr.rel @p0 .LBB2_3-.Ltmp0, $2  }
0x32: {  	v6 =	vor.u32 v1, v8;
	_ =	sdelay $0x2  }
0x33: {  	v8 =	vor.u32 s1, v0;
	s1 =	sadd.s32 $0x10, s1  }
0x34: {  	_ =	sdelay $0x2  }
0x35: {  	v8 =	vshrl.u32 v8, $0x1  }
0x36: {  	[tilespmem:v7+s24+$0x0] =	vst.idx.msk $0xffff, v5;
	v4 =	vshll.u32 v4, $0x3;
	v2 =	vadd.s32 v2, v8  }
0x37: {  	v5 =	vld.idx.msk [tilespmem:v6+s2+$0x0], $0xffff;
	v4 =	vadd.s32 v3, v4;
	v2 =	vshll.u32 v2, $0x3  }
0x38: {  	v2 =	vor.u32 v1, v2;
	_ =	sdelay $0x3  }
0x39: {  	s31 =	sadd.s32 $0x1, s31;
	v63 =	vshll.u32 v8, $0x3;
	[tilespmem:v4+s24+$0x0] =	vst.idx.msk $0xffff, v5  }
0x3a: {  	p0 =	sne.s32 s31, $0x10;
	v3 =	vadd.s32 v3, v63;
	v2 =	vld.idx.msk [tilespmem:v2+s2+$0x0], $0xffff  }
.Ltmp1:
0x3b: {  	_ = 	snop;
	(pc) =	sbr.rel @p0 .LBB2_2-.Ltmp1, $2  }
0x3c: {  	_ =	sdelay $0x2  }
0x3d: {  	[tilespmem:v3+s24+$0x0] =	vst.idx.msk $0xffff, v2  }
0x3e: {  	s31 =	simm.s32 $0x0  }
0x3f: {  	[hbm4b:s5+s31] =	stream.linear.scatter [tilespmem:s24], [sflag:$0x3], $0x6400, $0x38;
	[tilespmem:$0x19000] =	vst v63  }
0x40: {  	_ = 	snop  }
0x41: {  	[tilespmem:s31], [sflag:$0x1] =	stream.strided.gather [hbm4b:s6+s20], $0x6400, s21, s20, $0x38;
	[tilespmem:$0x19000] =	vst v63  }
0x42: {  	_ =	swait.ge [sflag:s25], $0x6400  }
0x43: {  	[sflag:s25] =	ssyncset.done $0x0  }
0x44: {  	s1 =	simm.s32 $0x0;
	[sflag:s25] =	ssyncadd.s32 $0xFFFF9C00  }
.LBB2_6:
0x45: {  	s0 =	smul.u32 $0xC8, s1  }
0x46: {  	v3 =	vor.u32 s31, v0  }
0x47: {  	v5 =	vshrl.u32 v3, $0x1;
	v2 =	vmov s0  }
0x48: {  	v3 =	vadd.s32 v2, v5  }
0x49: {  	v4 =	vmov s1;
	v3 =	vshll.u32 v3, $0x3  }
0x4a: {  	v4 =	vmul.u32 $0x640, v4;
	v6 =	vor.u32 v1, v3  }
0x4b: {  	s0 =	simm.s32 $0x10  }
0x4c: {  	v7 =	vbroadcast v4, $0x0;
	v3 =	vor.u32 s0, v0  }
0x4d: {  	v4 =	vshrl.u32 v3, $0x1  }
0x4e: {  	v3 =	vor.u32 v1, v7;
	v7 =	vshll.u32 v5, $0x3;
	v8 =	vadd.s32 v2, v4  }
0x4f: {  	v7 =	vadd.s32 v3, v7;
	v8 =	vshll.u32 v8, $0x3;
	v5 =	vld.idx.msk [tilespmem:v6+s22+$0x0], $0xffff  }
0x50: {  	v6 =	vor.u32 v1, v8;
	_ =	sdelay $0x1  }
0x51: {  	s0 =	simm.s32 $0x20  }
0x52: {  	v8 =	vor.u32 s0, v0;
	s0 =	simm.s32 $0x30  }
.LBB2_7:
0x53: {  	p0 =	sne.s32 s0, $0x180;
	v8 =	vshrl.u32 v8, $0x1;
	[tilespmem:v7+s26+$0x0] =	vst.idx.msk $0xffff, v5  }
0x54: {  	v7 =	vadd.s32 v2, v8;
	v5 =	vld.idx.msk [tilespmem:v6+s22+$0x0], $0xffff;
	v6 =	vshll.u32 v4, $0x3;
	v4 =	vmov v8  }
.Ltmp2:
0x55: {  	v8 =	vshll.u32 v7, $0x3;
	v7 =	vadd.s32 v3, v6;
	(pc) =	sbr.rel @p0 .LBB2_7-.Ltmp2, $2  }
0x56: {  	v6 =	vor.u32 v1, v8;
	_ =	sdelay $0x2  }
0x57: {  	v8 =	vor.u32 s0, v0;
	s0 =	sadd.s32 $0x10, s0  }
0x58: {  	_ =	sdelay $0x2  }
0x59: {  	v8 =	vshrl.u32 v8, $0x1  }
0x5a: {  	[tilespmem:v7+s26+$0x0] =	vst.idx.msk $0xffff, v5;
	v4 =	vshll.u32 v4, $0x3;
	v2 =	vadd.s32 v2, v8  }
0x5b: {  	v5 =	vld.idx.msk [tilespmem:v6+s22+$0x0], $0xffff;
	v4 =	vadd.s32 v3, v4;
	v2 =	vshll.u32 v2, $0x3  }
0x5c: {  	v2 =	vor.u32 v1, v2;
	_ =	sdelay $0x3  }
0x5d: {  	s1 =	sadd.s32 $0x1, s1;
	v63 =	vshll.u32 v8, $0x3;
	[tilespmem:v4+s26+$0x0] =	vst.idx.msk $0xffff, v5  }
0x5e: {  	p0 =	sne.s32 s1, $0x10;
	v3 =	vadd.s32 v3, v63;
	v2 =	vld.idx.msk [tilespmem:v2+s22+$0x0], $0xffff  }
.Ltmp3:
0x5f: {  	_ = 	snop;
	(pc) =	sbr.rel @p0 .LBB2_6-.Ltmp3, $2  }
0x60: {  	_ =	sdelay $0x2  }
0x61: {  	[tilespmem:v3+s26+$0x0] =	vst.idx.msk $0xffff, v2  }
0x62: {  	s31 =	simm.s32 $0x0  }
0x63: {  	[hbm4b:s7+s31] =	stream.linear.scatter [tilespmem:s26], [sflag:$0x4], $0x6400, $0x38;
	[tilespmem:$0x19000] =	vst v63  }
0x64: {  	_ = 	snop  }
0x65: {  	[tilespmem:s22], [sflag:$0x2] =	stream.strided.gather [hbm4b:s8+s20], $0x6400, s21, s20, $0x38;
	[tilespmem:$0x19000] =	vst v63  }
0x66: {  	_ =	swait.ge [sflag:s23], $0x6400  }
0x67: {  	[sflag:s23] =	ssyncset.done $0x0  }
0x68: {  	[sflag:s23] =	ssyncadd.s32 $0xFFFF9C00  }
0x69: {  	_ =	swait.ge [sflag:s28], $0x6400  }
0x6a: {  	[sflag:s28] =	ssyncset.done $0x0  }
0x6b: {  	s1 =	simm.s32 $0x0;
	[sflag:s28] =	ssyncadd.s32 $0xFFFF9C00  }
.LBB2_10:
0x6c: {  	s0 =	smul.u32 $0xC8, s1  }
0x6d: {  	v3 =	vor.u32 s31, v0  }
0x6e: {  	v5 =	vshrl.u32 v3, $0x1;
	v2 =	vmov s0  }
0x6f: {  	v3 =	vadd.s32 v2, v5  }
0x70: {  	v4 =	vmov s1;
	v3 =	vshll.u32 v3, $0x3  }
0x71: {  	v4 =	vmul.u32 $0x640, v4;
	v6 =	vor.u32 v1, v3  }
0x72: {  	s0 =	simm.s32 $0x10  }
0x73: {  	v7 =	vbroadcast v4, $0x0;
	v3 =	vor.u32 s0, v0  }
0x74: {  	v4 =	vshrl.u32 v3, $0x1  }
0x75: {  	v3 =	vor.u32 v1, v7;
	v7 =	vshll.u32 v5, $0x3;
	v8 =	vadd.s32 v2, v4  }
0x76: {  	v7 =	vadd.s32 v3, v7;
	v8 =	vshll.u32 v8, $0x3;
	v5 =	vld.idx.msk [tilespmem:v6+s2+$0x0], $0xffff  }
0x77: {  	v6 =	vor.u32 v1, v8;
	_ =	sdelay $0x1  }
0x78: {  	s0 =	simm.s32 $0x20  }
0x79: {  	v8 =	vor.u32 s0, v0;
	s0 =	simm.s32 $0x30  }
.LBB2_11:
0x7a: {  	p0 =	sne.s32 s0, $0x180;
	v8 =	vshrl.u32 v8, $0x1;
	[tilespmem:v7+s24+$0x0] =	vst.idx.msk $0xffff, v5  }
0x7b: {  	v7 =	vadd.s32 v2, v8;
	v5 =	vld.idx.msk [tilespmem:v6+s2+$0x0], $0xffff;
	v6 =	vshll.u32 v4, $0x3;
	v4 =	vmov v8  }
.Ltmp4:
0x7c: {  	v8 =	vshll.u32 v7, $0x3;
	v7 =	vadd.s32 v3, v6;
	(pc) =	sbr.rel @p0 .LBB2_11-.Ltmp4, $2  }
0x7d: {  	v6 =	vor.u32 v1, v8;
	_ =	sdelay $0x2  }
0x7e: {  	v8 =	vor.u32 s0, v0;
	s0 =	sadd.s32 $0x10, s0  }
0x7f: {  	_ =	sdelay $0x2  }
0x80: {  	v8 =	vshrl.u32 v8, $0x1  }
0x81: {  	[tilespmem:v7+s24+$0x0] =	vst.idx.msk $0xffff, v5;
	v4 =	vshll.u32 v4, $0x3;
	v2 =	vadd.s32 v2, v8  }
0x82: {  	v5 =	vld.idx.msk [tilespmem:v6+s2+$0x0], $0xffff;
	v4 =	vadd.s32 v3, v4;
	v2 =	vshll.u32 v2, $0x3  }
0x83: {  	v2 =	vor.u32 v1, v2;
	_ =	sdelay $0x3  }
0x84: {  	s1 =	sadd.s32 $0x1, s1;
	v63 =	vshll.u32 v8, $0x3;
	[tilespmem:v4+s24+$0x0] =	vst.idx.msk $0xffff, v5  }
0x85: {  	p0 =	sne.s32 s1, $0x10;
	v3 =	vadd.s32 v3, v63;
	v2 =	vld.idx.msk [tilespmem:v2+s2+$0x0], $0xffff  }
.Ltmp5:
0x86: {  	_ = 	snop;
	(pc) =	sbr.rel @p0 .LBB2_10-.Ltmp5, $2  }
0x87: {  	_ =	sdelay $0x2  }
0x88: {  	[tilespmem:v3+s24+$0x0] =	vst.idx.msk $0xffff, v2  }
0x89: {  	s31 =	simm.s32 $0x0  }
0x8a: {  	[hbm4b:s9+s31] =	stream.linear.scatter [tilespmem:s24], [sflag:$0x3], $0x6400, $0x38;
	[tilespmem:$0x19000] =	vst v63  }
0x8b: {  	_ = 	snop  }
0x8c: {  	[tilespmem:s31], [sflag:$0x1] =	stream.strided.gather [hbm4b:s10+s20], $0x6400, s21, s20, $0x38;
	[tilespmem:$0x19000] =	vst v63  }
0x8d: {  	_ =	swait.ge [sflag:s25], $0x6400  }
0x8e: {  	[sflag:s25] =	ssyncset.done $0x0  }
0x8f: {  	[sflag:s25] =	ssyncadd.s32 $0xFFFF9C00  }
0x90: {  	_ =	swait.ge [sflag:s29], $0x6400  }
0x91: {  	[sflag:s29] =	ssyncset.done $0x0  }
0x92: {  	s1 =	simm.s32 $0x0;
	[sflag:s29] =	ssyncadd.s32 $0xFFFF9C00  }
.LBB2_14:
0x93: {  	s0 =	smul.u32 $0xC8, s1  }
0x94: {  	v3 =	vor.u32 s31, v0  }
0x95: {  	v5 =	vshrl.u32 v3, $0x1;
	v2 =	vmov s0  }
0x96: {  	v3 =	vadd.s32 v2, v5  }
0x97: {  	v4 =	vmov s1;
	v3 =	vshll.u32 v3, $0x3  }
0x98: {  	v4 =	vmul.u32 $0x640, v4;
	v6 =	vor.u32 v1, v3  }
0x99: {  	s0 =	simm.s32 $0x10  }
0x9a: {  	v7 =	vbroadcast v4, $0x0;
	v3 =	vor.u32 s0, v0  }
0x9b: {  	v4 =	vshrl.u32 v3, $0x1  }
0x9c: {  	v3 =	vor.u32 v1, v7;
	v7 =	vshll.u32 v5, $0x3;
	v8 =	vadd.s32 v2, v4  }
0x9d: {  	v7 =	vadd.s32 v3, v7;
	v8 =	vshll.u32 v8, $0x3;
	v5 =	vld.idx.msk [tilespmem:v6+s22+$0x0], $0xffff  }
0x9e: {  	v6 =	vor.u32 v1, v8;
	_ =	sdelay $0x1  }
0x9f: {  	s0 =	simm.s32 $0x20  }
0xa0: {  	v8 =	vor.u32 s0, v0;
	s0 =	simm.s32 $0x30  }
.LBB2_15:
0xa1: {  	p0 =	sne.s32 s0, $0x180;
	v8 =	vshrl.u32 v8, $0x1;
	[tilespmem:v7+s26+$0x0] =	vst.idx.msk $0xffff, v5  }
0xa2: {  	v7 =	vadd.s32 v2, v8;
	v5 =	vld.idx.msk [tilespmem:v6+s22+$0x0], $0xffff;
	v6 =	vshll.u32 v4, $0x3;
	v4 =	vmov v8  }
.Ltmp6:
0xa3: {  	v8 =	vshll.u32 v7, $0x3;
	v7 =	vadd.s32 v3, v6;
	(pc) =	sbr.rel @p0 .LBB2_15-.Ltmp6, $2  }
0xa4: {  	v6 =	vor.u32 v1, v8;
	_ =	sdelay $0x2  }
0xa5: {  	v8 =	vor.u32 s0, v0;
	s0 =	sadd.s32 $0x10, s0  }
0xa6: {  	_ =	sdelay $0x2  }
0xa7: {  	v8 =	vshrl.u32 v8, $0x1  }
0xa8: {  	[tilespmem:v7+s26+$0x0] =	vst.idx.msk $0xffff, v5;
	v4 =	vshll.u32 v4, $0x3;
	v2 =	vadd.s32 v2, v8  }
0xa9: {  	v5 =	vld.idx.msk [tilespmem:v6+s22+$0x0], $0xffff;
	v4 =	vadd.s32 v3, v4;
	v2 =	vshll.u32 v2, $0x3  }
0xaa: {  	v2 =	vor.u32 v1, v2;
	_ =	sdelay $0x3  }
0xab: {  	s1 =	sadd.s32 $0x1, s1;
	v63 =	vshll.u32 v8, $0x3;
	[tilespmem:v4+s26+$0x0] =	vst.idx.msk $0xffff, v5  }
0xac: {  	p0 =	sne.s32 s1, $0x10;
	v3 =	vadd.s32 v3, v63;
	v2 =	vld.idx.msk [tilespmem:v2+s22+$0x0], $0xffff  }
.Ltmp7:
0xad: {  	_ = 	snop;
	(pc) =	sbr.rel @p0 .LBB2_14-.Ltmp7, $2  }
0xae: {  	_ =	sdelay $0x2  }
0xaf: {  	[tilespmem:v3+s26+$0x0] =	vst.idx.msk $0xffff, v2  }
0xb0: {  	s31 =	simm.s32 $0x0  }
0xb1: {  	[hbm4b:s11+s31] =	stream.linear.scatter [tilespmem:s26], [sflag:$0x4], $0x6400, $0x38;
	[tilespmem:$0x19000] =	vst v63  }
0xb2: {  	_ = 	snop  }
0xb3: {  	[tilespmem:s22], [sflag:$0x2] =	stream.strided.gather [hbm4b:s12+s20], $0x6400, s21, s20, $0x38;
	[tilespmem:$0x19000] =	vst v63  }
0xb4: {  	_ =	swait.ge [sflag:s23], $0x6400  }
0xb5: {  	[sflag:s23] =	ssyncset.done $0x0  }
0xb6: {  	[sflag:s23] =	ssyncadd.s32 $0xFFFF9C00  }
0xb7: {  	_ =	swait.ge [sflag:s28], $0x6400  }
0xb8: {  	[sflag:s28] =	ssyncset.done $0x0  }
0xb9: {  	s1 =	simm.s32 $0x0;
	[sflag:s28] =	ssyncadd.s32 $0xFFFF9C00  }
.LBB2_18:
0xba: {  	s0 =	smul.u32 $0xC8, s1  }
0xbb: {  	v3 =	vor.u32 s31, v0  }
0xbc: {  	v5 =	vshrl.u32 v3, $0x1;
	v2 =	vmov s0  }
0xbd: {  	v3 =	vadd.s32 v2, v5  }
0xbe: {  	v4 =	vmov s1;
	v3 =	vshll.u32 v3, $0x3  }
0xbf: {  	v4 =	vmul.u32 $0x640, v4;
	v6 =	vor.u32 v1, v3  }
0xc0: {  	s0 =	simm.s32 $0x10  }
0xc1: {  	v7 =	vbroadcast v4, $0x0;
	v3 =	vor.u32 s0, v0  }
0xc2: {  	v4 =	vshrl.u32 v3, $0x1  }
0xc3: {  	v3 =	vor.u32 v1, v7;
	v7 =	vshll.u32 v5, $0x3;
	v8 =	vadd.s32 v2, v4  }
0xc4: {  	v7 =	vadd.s32 v3, v7;
	v8 =	vshll.u32 v8, $0x3;
	v5 =	vld.idx.msk [tilespmem:v6+s2+$0x0], $0xffff  }
0xc5: {  	v6 =	vor.u32 v1, v8;
	_ =	sdelay $0x1  }
0xc6: {  	s0 =	simm.s32 $0x20  }
0xc7: {  	v8 =	vor.u32 s0, v0;
	s0 =	simm.s32 $0x30  }
.LBB2_19:
0xc8: {  	p0 =	sne.s32 s0, $0x180;
	v8 =	vshrl.u32 v8, $0x1;
	[tilespmem:v7+s24+$0x0] =	vst.idx.msk $0xffff, v5  }
0xc9: {  	v7 =	vadd.s32 v2, v8;
	v5 =	vld.idx.msk [tilespmem:v6+s2+$0x0], $0xffff;
	v6 =	vshll.u32 v4, $0x3;
	v4 =	vmov v8  }
.Ltmp8:
0xca: {  	v8 =	vshll.u32 v7, $0x3;
	v7 =	vadd.s32 v3, v6;
	(pc) =	sbr.rel @p0 .LBB2_19-.Ltmp8, $2  }
0xcb: {  	v6 =	vor.u32 v1, v8;
	_ =	sdelay $0x2  }
0xcc: {  	v8 =	vor.u32 s0, v0;
	s0 =	sadd.s32 $0x10, s0  }
0xcd: {  	_ =	sdelay $0x2  }
0xce: {  	v8 =	vshrl.u32 v8, $0x1  }
0xcf: {  	[tilespmem:v7+s24+$0x0] =	vst.idx.msk $0xffff, v5;
	v4 =	vshll.u32 v4, $0x3;
	v2 =	vadd.s32 v2, v8  }
0xd0: {  	v5 =	vld.idx.msk [tilespmem:v6+s2+$0x0], $0xffff;
	v4 =	vadd.s32 v3, v4;
	v2 =	vshll.u32 v2, $0x3  }
0xd1: {  	v2 =	vor.u32 v1, v2;
	_ =	sdelay $0x3  }
0xd2: {  	s1 =	sadd.s32 $0x1, s1;
	v63 =	vshll.u32 v8, $0x3;
	[tilespmem:v4+s24+$0x0] =	vst.idx.msk $0xffff, v5  }
0xd3: {  	p0 =	sne.s32 s1, $0x10;
	v3 =	vadd.s32 v3, v63;
	v2 =	vld.idx.msk [tilespmem:v2+s2+$0x0], $0xffff  }
.Ltmp9:
0xd4: {  	_ = 	snop;
	(pc) =	sbr.rel @p0 .LBB2_18-.Ltmp9, $2  }
0xd5: {  	_ =	sdelay $0x2  }
0xd6: {  	[tilespmem:v3+s24+$0x0] =	vst.idx.msk $0xffff, v2  }
0xd7: {  	s31 =	simm.s32 $0x0  }
0xd8: {  	[hbm4b:s13+s31] =	stream.linear.scatter [tilespmem:s24], [sflag:$0x3], $0x6400, $0x38;
	[tilespmem:$0x19000] =	vst v63  }
0xd9: {  	_ = 	snop  }
0xda: {  	[tilespmem:s31], [sflag:$0x1] =	stream.strided.gather [hbm4b:s14+s20], $0x6400, s21, s20, $0x38;
	[tilespmem:$0x19000] =	vst v63  }
0xdb: {  	_ =	swait.ge [sflag:s25], $0x6400  }
0xdc: {  	[sflag:s25] =	ssyncset.done $0x0  }
0xdd: {  	[sflag:s25] =	ssyncadd.s32 $0xFFFF9C00  }
0xde: {  	_ =	swait.ge [sflag:s29], $0x6400  }
0xdf: {  	[sflag:s29] =	ssyncset.done $0x0  }
0xe0: {  	s1 =	simm.s32 $0x0;
	[sflag:s29] =	ssyncadd.s32 $0xFFFF9C00  }
.LBB2_22:
0xe1: {  	s0 =	smul.u32 $0xC8, s1  }
0xe2: {  	v3 =	vor.u32 s31, v0  }
0xe3: {  	v5 =	vshrl.u32 v3, $0x1;
	v2 =	vmov s0  }
0xe4: {  	v3 =	vadd.s32 v2, v5  }
0xe5: {  	v4 =	vmov s1;
	v3 =	vshll.u32 v3, $0x3  }
0xe6: {  	v4 =	vmul.u32 $0x640, v4;
	v6 =	vor.u32 v1, v3  }
0xe7: {  	s0 =	simm.s32 $0x10  }
0xe8: {  	v7 =	vbroadcast v4, $0x0;
	v3 =	vor.u32 s0, v0  }
0xe9: {  	v4 =	vshrl.u32 v3, $0x1  }
0xea: {  	v3 =	vor.u32 v1, v7;
	v7 =	vshll.u32 v5, $0x3;
	v8 =	vadd.s32 v2, v4  }
0xeb: {  	v7 =	vadd.s32 v3, v7;
	v8 =	vshll.u32 v8, $0x3;
	v5 =	vld.idx.msk [tilespmem:v6+s22+$0x0], $0xffff  }
0xec: {  	v6 =	vor.u32 v1, v8;
	_ =	sdelay $0x1  }
0xed: {  	s0 =	simm.s32 $0x20  }
0xee: {  	v8 =	vor.u32 s0, v0;
	s0 =	simm.s32 $0x30  }
.LBB2_23:
0xef: {  	p0 =	sne.s32 s0, $0x180;
	v8 =	vshrl.u32 v8, $0x1;
	[tilespmem:v7+s26+$0x0] =	vst.idx.msk $0xffff, v5  }
0xf0: {  	v7 =	vadd.s32 v2, v8;
	v5 =	vld.idx.msk [tilespmem:v6+s22+$0x0], $0xffff;
	v6 =	vshll.u32 v4, $0x3;
	v4 =	vmov v8  }
.Ltmp10:
0xf1: {  	v8 =	vshll.u32 v7, $0x3;
	v7 =	vadd.s32 v3, v6;
	(pc) =	sbr.rel @p0 .LBB2_23-.Ltmp10, $2  }
0xf2: {  	v6 =	vor.u32 v1, v8;
	_ =	sdelay $0x2  }
0xf3: {  	v8 =	vor.u32 s0, v0;
	s0 =	sadd.s32 $0x10, s0  }
0xf4: {  	_ =	sdelay $0x2  }
0xf5: {  	v8 =	vshrl.u32 v8, $0x1  }
0xf6: {  	[tilespmem:v7+s26+$0x0] =	vst.idx.msk $0xffff, v5;
	v4 =	vshll.u32 v4, $0x3;
	v2 =	vadd.s32 v2, v8  }
0xf7: {  	v5 =	vld.idx.msk [tilespmem:v6+s22+$0x0], $0xffff;
	v4 =	vadd.s32 v3, v4;
	v2 =	vshll.u32 v2, $0x3  }
0xf8: {  	v2 =	vor.u32 v1, v2;
	_ =	sdelay $0x3  }
0xf9: {  	s1 =	sadd.s32 $0x1, s1;
	v63 =	vshll.u32 v8, $0x3;
	[tilespmem:v4+s26+$0x0] =	vst.idx.msk $0xffff, v5  }
0xfa: {  	p0 =	sne.s32 s1, $0x10;
	v3 =	vadd.s32 v3, v63;
	v2 =	vld.idx.msk [tilespmem:v2+s22+$0x0], $0xffff  }
.Ltmp11:
0xfb: {  	_ = 	snop;
	(pc) =	sbr.rel @p0 .LBB2_22-.Ltmp11, $2  }
0xfc: {  	_ =	sdelay $0x2  }
0xfd: {  	[tilespmem:v3+s26+$0x0] =	vst.idx.msk $0xffff, v2  }
0xfe: {  	s31 =	simm.s32 $0x0  }
0xff: {  	[hbm4b:s15+s31] =	stream.linear.scatter [tilespmem:s26], [sflag:$0x4], $0x6400, $0x38;
	[tilespmem:$0x19000] =	vst v63  }
0x100: {  	_ = 	snop  }
0x101: {  	[tilespmem:s22], [sflag:$0x2] =	stream.strided.gather [hbm4b:s16+s20], $0x6400, s21, s20, $0x38;
	[tilespmem:$0x19000] =	vst v63  }
0x102: {  	_ =	swait.ge [sflag:s23], $0x6400  }
0x103: {  	[sflag:s23] =	ssyncset.done $0x0  }
0x104: {  	[sflag:s23] =	ssyncadd.s32 $0xFFFF9C00  }
0x105: {  	_ =	swait.ge [sflag:s28], $0x6400  }
0x106: {  	[sflag:s28] =	ssyncset.done $0x0  }
0x107: {  	s1 =	simm.s32 $0x0;
	[sflag:s28] =	ssyncadd.s32 $0xFFFF9C00  }
.LBB2_26:
0x108: {  	s0 =	smul.u32 $0xC8, s1  }
0x109: {  	v3 =	vor.u32 s31, v0  }
0x10a: {  	v5 =	vshrl.u32 v3, $0x1;
	v2 =	vmov s0  }
0x10b: {  	v3 =	vadd.s32 v2, v5  }
0x10c: {  	v4 =	vmov s1;
	v3 =	vshll.u32 v3, $0x3  }
0x10d: {  	v4 =	vmul.u32 $0x640, v4;
	v6 =	vor.u32 v1, v3  }
0x10e: {  	s0 =	simm.s32 $0x10  }
0x10f: {  	v7 =	vbroadcast v4, $0x0;
	v3 =	vor.u32 s0, v0  }
0x110: {  	v4 =	vshrl.u32 v3, $0x1  }
0x111: {  	v3 =	vor.u32 v1, v7;
	v7 =	vshll.u32 v5, $0x3;
	v8 =	vadd.s32 v2, v4  }
0x112: {  	v7 =	vadd.s32 v3, v7;
	v8 =	vshll.u32 v8, $0x3;
	v5 =	vld.idx.msk [tilespmem:v6+s2+$0x0], $0xffff  }
0x113: {  	v6 =	vor.u32 v1, v8;
	_ =	sdelay $0x1  }
0x114: {  	s0 =	simm.s32 $0x20  }
0x115: {  	v8 =	vor.u32 s0, v0;
	s0 =	simm.s32 $0x30  }
.LBB2_27:
0x116: {  	p0 =	sne.s32 s0, $0x180;
	v8 =	vshrl.u32 v8, $0x1;
	[tilespmem:v7+s24+$0x0] =	vst.idx.msk $0xffff, v5  }
0x117: {  	v7 =	vadd.s32 v2, v8;
	v5 =	vld.idx.msk [tilespmem:v6+s2+$0x0], $0xffff;
	v6 =	vshll.u32 v4, $0x3;
	v4 =	vmov v8  }
.Ltmp12:
0x118: {  	v8 =	vshll.u32 v7, $0x3;
	v7 =	vadd.s32 v3, v6;
	(pc) =	sbr.rel @p0 .LBB2_27-.Ltmp12, $2  }
0x119: {  	v6 =	vor.u32 v1, v8;
	_ =	sdelay $0x2  }
0x11a: {  	v8 =	vor.u32 s0, v0;
	s0 =	sadd.s32 $0x10, s0  }
0x11b: {  	_ =	sdelay $0x2  }
0x11c: {  	v8 =	vshrl.u32 v8, $0x1  }
0x11d: {  	[tilespmem:v7+s24+$0x0] =	vst.idx.msk $0xffff, v5;
	v4 =	vshll.u32 v4, $0x3;
	v2 =	vadd.s32 v2, v8  }
0x11e: {  	v5 =	vld.idx.msk [tilespmem:v6+s2+$0x0], $0xffff;
	v4 =	vadd.s32 v3, v4;
	v2 =	vshll.u32 v2, $0x3  }
0x11f: {  	v2 =	vor.u32 v1, v2;
	_ =	sdelay $0x3  }
0x120: {  	s1 =	sadd.s32 $0x1, s1;
	v63 =	vshll.u32 v8, $0x3;
	[tilespmem:v4+s24+$0x0] =	vst.idx.msk $0xffff, v5  }
0x121: {  	p0 =	sne.s32 s1, $0x10;
	v3 =	vadd.s32 v3, v63;
	v2 =	vld.idx.msk [tilespmem:v2+s2+$0x0], $0xffff  }
.Ltmp13:
0x122: {  	_ = 	snop;
	(pc) =	sbr.rel @p0 .LBB2_26-.Ltmp13, $2  }
0x123: {  	_ =	sdelay $0x2  }
0x124: {  	[tilespmem:v3+s24+$0x0] =	vst.idx.msk $0xffff, v2  }
0x125: {  	s31 =	simm.s32 $0x0  }
0x126: {  	[hbm4b:s17+s31] =	stream.linear.scatter [tilespmem:s24], [sflag:$0x3], $0x6400, $0x38;
	[tilespmem:$0x19000] =	vst v63  }
0x127: {  	_ =	swait.ge [sflag:s25], $0x6400  }
0x128: {  	[sflag:s25] =	ssyncset.done $0x0  }
0x129: {  	[sflag:s25] =	ssyncadd.s32 $0xFFFF9C00  }
0x12a: {  	_ =	swait.ge [sflag:s29], $0x6400  }
0x12b: {  	[sflag:s29] =	ssyncset.done $0x0  }
0x12c: {  	s1 =	simm.s32 $0x0;
	[sflag:s29] =	ssyncadd.s32 $0xFFFF9C00  }
.LBB2_30:
0x12d: {  	s0 =	smul.u32 $0xC8, s1  }
0x12e: {  	v3 =	vor.u32 s31, v0  }
0x12f: {  	v5 =	vshrl.u32 v3, $0x1;
	v2 =	vmov s0  }
0x130: {  	v3 =	vadd.s32 v2, v5  }
0x131: {  	v4 =	vmov s1;
	v3 =	vshll.u32 v3, $0x3  }
0x132: {  	v4 =	vmul.u32 $0x640, v4;
	v6 =	vor.u32 v1, v3  }
0x133: {  	s0 =	simm.s32 $0x10  }
0x134: {  	v7 =	vbroadcast v4, $0x0;
	v3 =	vor.u32 s0, v0  }
0x135: {  	v4 =	vshrl.u32 v3, $0x1  }
0x136: {  	v3 =	vor.u32 v1, v7;
	v7 =	vshll.u32 v5, $0x3;
	v8 =	vadd.s32 v2, v4  }
0x137: {  	v7 =	vadd.s32 v3, v7;
	v8 =	vshll.u32 v8, $0x3;
	v5 =	vld.idx.msk [tilespmem:v6+s22+$0x0], $0xffff  }
0x138: {  	v6 =	vor.u32 v1, v8;
	_ =	sdelay $0x1  }
0x139: {  	s0 =	simm.s32 $0x20  }
0x13a: {  	v8 =	vor.u32 s0, v0;
	s0 =	simm.s32 $0x30  }
.LBB2_31:
0x13b: {  	p0 =	sne.s32 s0, $0x180;
	v8 =	vshrl.u32 v8, $0x1;
	[tilespmem:v7+s26+$0x0] =	vst.idx.msk $0xffff, v5  }
0x13c: {  	v7 =	vadd.s32 v2, v8;
	v5 =	vld.idx.msk [tilespmem:v6+s22+$0x0], $0xffff;
	v6 =	vshll.u32 v4, $0x3;
	v4 =	vmov v8  }
.Ltmp14:
0x13d: {  	v8 =	vshll.u32 v7, $0x3;
	v7 =	vadd.s32 v3, v6;
	(pc) =	sbr.rel @p0 .LBB2_31-.Ltmp14, $2  }
0x13e: {  	v6 =	vor.u32 v1, v8;
	_ =	sdelay $0x2  }
0x13f: {  	v8 =	vor.u32 s0, v0;
	s0 =	sadd.s32 $0x10, s0  }
0x140: {  	_ =	sdelay $0x2  }
0x141: {  	v8 =	vshrl.u32 v8, $0x1  }
0x142: {  	[tilespmem:v7+s26+$0x0] =	vst.idx.msk $0xffff, v5;
	v4 =	vshll.u32 v4, $0x3;
	v2 =	vadd.s32 v2, v8  }
0x143: {  	v5 =	vld.idx.msk [tilespmem:v6+s22+$0x0], $0xffff;
	v4 =	vadd.s32 v3, v4;
	v2 =	vshll.u32 v2, $0x3  }
0x144: {  	v2 =	vor.u32 v1, v2;
	_ =	sdelay $0x3  }
0x145: {  	s1 =	sadd.s32 $0x1, s1;
	v63 =	vshll.u32 v8, $0x3;
	[tilespmem:v4+s26+$0x0] =	vst.idx.msk $0xffff, v5  }
0x146: {  	p0 =	sne.s32 s1, $0x10;
	v3 =	vadd.s32 v3, v63;
	v2 =	vld.idx.msk [tilespmem:v2+s22+$0x0], $0xffff  }
.Ltmp15:
0x147: {  	_ = 	snop;
	(pc) =	sbr.rel @p0 .LBB2_30-.Ltmp15, $2  }
0x148: {  	_ =	sdelay $0x2  }
0x149: {  	[tilespmem:v3+s26+$0x0] =	vst.idx.msk $0xffff, v2  }
0x14a: {  	[hbm4b:s18+s2] =	stream.linear.scatter [tilespmem:s26], [sflag:$0x4], $0x6400, $0x38;
	[tilespmem:$0x19000] =	vst v63  }
0x14b: {  	s30 =	sadd.s32 $0x1, s30  }
0x14c: {  	_ =	swait.ge [sflag:s28], $0x6400;
	p0 =	sne.s32 s30, s19  }
.Ltmp16:
0x14d: {  	[sflag:s28] =	ssyncset.done $0x0;
	(pc) =	sbr.rel @p0 .LBB2_1-.Ltmp16, $4  }
0x14e: {  	[sflag:s28] =	ssyncadd.s32 $0xFFFF9C00  }
0x14f: {  	_ =	swait.ge [sflag:s29], $0x6400  }
0x150: {  	[sflag:s29] =	ssyncset.done $0x0  }
0x151: {  	[sflag:s29] =	ssyncadd.s32 $0xFFFF9C00  }
0x152: {  	_ =	sfence.sel $0x180000  }
0x153: {  	[bflag:$0x0] =	sbarrier.arrive $0xFFFF  }
0x154: {  	_ =	strace $0x90000047  }
0x155: {  	s0 =	stileid.u32;
	[bflag:$0x2] =	sbarrier.arrive $0xFFFF  }
0x156: {  	p0 =	sne.s32 s0, $0x0;
	s0 =	rddreg [dreg:$0x2]  }
0x157: {  	s0 =	sadd.s32 @!p0 $0x100000, s0  }
0x158: {  	[sflag:s0] =	ssyncadd.tile.s32 @!p0 $0x1;
	_ =	shalt  }
.Lfunc_end2:
_tile_overlayer_lowered:
.L_overlay_start_2:
0x159: {  	(tag) =	ssettag $0x2  }
0x15a: {  	s0 =	rddreg [dreg:$0x0];
	s2 =	stileid.u32  }
0x15b: {  	s1 =	rddreg [dreg:$0x1];
	p0 =	sne.s32 s2, $0x0  }
0x15c: {  	s3 =	rddreg [dreg:$0x2];
	[bflag:$0x3] =	sbarrier.arrive $0xFFFF;
	s2 =	simm.s32 @!p0 $0x1C05  }
0x15d: {  	[timem:s3], [sflag:s2] =	dma.local @!p0 [hbm:s0], s1  }
0x15e: {  	s0 =	simm.s32 @!p0 $0x5  }
0x15f: {  	_ =	swait.ge @!p0 [sflag:s0], s1  }
0x160: {  	s1 =	ssub.s32 @!p0 $0x0, s1;
	[sflag:s0] =	ssyncset.done @!p0 $0x0  }
0x161: {  	[sflag:s0] =	ssyncadd.s32 @!p0 s1  }
0x162: {  	[bflag:$0x3] =	sbarrier.arrive $0xFFFF  }
0x163: {  	_ =	shalt  }

</sc_bundles>
